<compile_context>
chip_gen: v7x
topology: tpu7x:2x2x1
jax: 0.10.2.dev20260603
libtpu: 0.0.44.dev20260713+nightly
codegen_flags: <defaults>
</compile_context>

<pallas_src>
import functools

import jax
import jax.numpy as jnp
from jax import lax
from jax.experimental import pallas as pl
from jax.experimental.pallas import tpu as pltpu
from jax.experimental.pallas import tpu_sc as plsc

KNN = 20
EPS = 1e-5
B, N = 16, 2048
C = 64

_NC, _NS = 2, 16
_NW = _NC * _NS



def _full_extract(dist, base, M):
    iota = lax.broadcasted_iota(jnp.int32, (M, N), 1)
    kiota = lax.broadcasted_iota(jnp.int32, (M, 32), 1)

    def step(t, carry):
        work, acc = carry
        m = jnp.min(work, axis=1, keepdims=True)
        cand = jnp.where(work == m, iota, N)
        j = jnp.min(cand, axis=1, keepdims=True)
        acc = jnp.where(kiota == t, j + base, acc)
        work = jnp.where(iota == j, jnp.float32(jnp.inf), work)
        return work, acc

    _, acc = lax.fori_loop(0, KNN, step, (dist, jnp.zeros((M, 32), jnp.int32)))
    return acc[:, :KNN]


def _topk_body(hr_ref, hf_ref, idx_ref, *, M, Dp):
    hr = hr_ref[0]
    hf = hf_ref[0]
    b = pl.program_id(0)
    sq_r = jnp.sum(hr * hr, axis=1, keepdims=True)
    sq_f = jnp.sum(hf * hf, axis=1)[None, :]
    s = lax.dot_general(hr.astype(jnp.bfloat16), hf.astype(jnp.bfloat16),
                        (((1,), (1,)), ((), ())),
                        preferred_element_type=jnp.float32)
    dist = (sq_r + (-2.0 * s)) + sq_f
    base = b * N

    G, L = 16, 128
    d3 = dist.reshape(M, G, L)
    tio = lax.broadcasted_iota(jnp.int32, (M, G, L), 1)
    lio = lax.broadcasted_iota(jnp.int32, (M, 1, L), 2)
    w3 = d3
    cv, ci = [], []
    for _ in range(4):
        gm = jnp.min(w3, axis=1, keepdims=True)
        tc = jnp.where(w3 == gm, tio, G)
        tm = jnp.min(tc, axis=1, keepdims=True)
        cv.append(gm)
        ci.append(tm * L + lio)
        w3 = jnp.where(tio == tm, jnp.float32(jnp.inf), w3)
    candv = jnp.concatenate(cv, axis=1).reshape(M, 4 * L)
    candi = jnp.concatenate(ci, axis=1).reshape(M, 4 * L)

    kiota = lax.broadcasted_iota(jnp.int32, (M, 32), 1)

    def step(t, carry):
        work, acc, _ = carry
        m = jnp.min(work, axis=1, keepdims=True)
        cand = jnp.where(work == m, candi, N)
        j = jnp.min(cand, axis=1, keepdims=True)
        acc = jnp.where(kiota == t, j + base, acc)
        work = jnp.where(candi == j, jnp.float32(jnp.inf), work)
        return work, acc, m

    _, acc, vlast = lax.fori_loop(
        0, KNN, step,
        (candv, jnp.zeros((M, 32), jnp.int32), jnp.zeros((M, 1), jnp.float32)))

    cnt = jnp.sum((d3 <= vlast[:, :, None]).astype(jnp.int32), axis=1)
    fail = jnp.any(cnt > 4)
    idx_ref[0] = lax.cond(fail,
                          lambda: _full_extract(dist, base, M),
                          lambda: acc[:, :KNN])


def _topk_call(h, Dp, M=128):
    grid = (B, N // M)
    return pl.pallas_call(
        functools.partial(_topk_body, M=M, Dp=Dp),
        grid=grid,
        in_specs=[
            pl.BlockSpec((1, M, Dp), lambda b, t: (b, t, 0)),
            pl.BlockSpec((1, N, Dp), lambda b, t: (b, 0, 0)),
        ],
        out_specs=pl.BlockSpec((1, M, KNN), lambda b, t: (b, t, 0)),
        out_shape=jax.ShapeDtypeStruct((B, N, KNN), jnp.int32),
    )(h, h)



def _sc_gather(table, idxf, Dp):
    P = 64
    CHUNK = P * KNN
    per_w = (B * N) // _NW
    n_chunks = per_w // P
    SUB = 128
    n_sub = CHUNK // SUB

    mesh = plsc.VectorSubcoreMesh(core_axis_name="c", subcore_axis_name="s")

    @functools.partial(
        pl.kernel,
        out_type=jax.ShapeDtypeStruct((B * N * KNN, Dp), jnp.float32),
        mesh=mesh,
        compiler_params=pltpu.CompilerParams(use_tc_tiling_on_sc=False),
        scratch_types=[
            pltpu.VMEM((CHUNK,), jnp.int32),
            pltpu.VMEM((CHUNK, Dp), jnp.float32),
            pltpu.SemaphoreType.DMA,
        ],
    )
    def gk(table_hbm, idx_hbm, out_hbm, idx_v, rows_v, sem):
        wid = lax.axis_index("s") * _NC + lax.axis_index("c")
        w_off = wid * per_w * KNN

        def chunk_body(ci, _):
            off = w_off + ci * CHUNK
            pltpu.sync_copy(idx_hbm.at[pl.ds(off, CHUNK)], idx_v)
            descs = []
            for j in range(n_sub):
                descs.append(pltpu.async_copy(
                    table_hbm.at[idx_v.at[pl.ds(j * SUB, SUB)]],
                    rows_v.at[pl.ds(j * SUB, SUB)],
                    sem))
            for d in descs:
                d.wait()
            pltpu.sync_copy(rows_v, out_hbm.at[pl.ds(off, CHUNK)])
            return 0

        lax.fori_loop(0, n_chunks, chunk_body, 0)

    return gk(table, idxf)



def _conv_body(g_ref, h_ref, wct_ref, wnt_ref, bias_ref, mx_ref, mn_ref, ps_ref,
               *, M, Dp):
    hr = h_ref[0]
    cen = lax.dot_general(hr.astype(jnp.bfloat16), wct_ref[...],
                          (((1,), (0,)), ((), ())),
                          preferred_element_type=jnp.float32)
    cen = cen + bias_ref[...][0][None, :]
    g3 = g_ref[0].reshape(M, KNN, Dp)
    diff = (g3 - hr[:, None, :]).astype(jnp.bfloat16).reshape(M * KNN, Dp)
    yn = lax.dot_general(diff, wnt_ref[...],
                         (((1,), (0,)), ((), ())),
                         preferred_element_type=jnp.float32)
    y = yn.reshape(M, KNN, C) + cen[:, None, :]
    s1 = jnp.sum(y, axis=1)
    s2 = jnp.sum(y * y, axis=1)
    mx_ref[0] = jnp.max(y, axis=1)
    mn_ref[0] = jnp.min(y, axis=1)
    ps_ref[0, 0] = jnp.concatenate(
        [jnp.sum(s1, axis=0)[None], jnp.sum(s2, axis=0)[None],
         jnp.zeros((6, C), jnp.float32)], axis=0)


def _conv_call(gath, h, wct, wnt, bias, Dp, M=128):
    grid = (B, N // M)
    nt = N // M
    return pl.pallas_call(
        functools.partial(_conv_body, M=M, Dp=Dp),
        grid=grid,
        in_specs=[
            pl.BlockSpec((1, M * KNN, Dp), lambda b, t: (b, t, 0)),
            pl.BlockSpec((1, M, Dp), lambda b, t: (b, t, 0)),
            pl.BlockSpec((Dp, C), lambda b, t: (0, 0)),
            pl.BlockSpec((Dp, C), lambda b, t: (0, 0)),
            pl.BlockSpec((1, C), lambda b, t: (0, 0)),
        ],
        out_specs=[
            pl.BlockSpec((1, M, C), lambda b, t: (b, t, 0)),
            pl.BlockSpec((1, M, C), lambda b, t: (b, t, 0)),
            pl.BlockSpec((1, 1, 8, C), lambda b, t: (b, t, 0, 0)),
        ],
        out_shape=[
            jax.ShapeDtypeStruct((B, N, C), jnp.float32),
            jax.ShapeDtypeStruct((B, N, C), jnp.float32),
            jax.ShapeDtypeStruct((B, nt, 8, C), jnp.float32),
        ],
    )(gath, h, wct, wnt, bias)



def _fin_body(mx_ref, mn_ref, sc_ref, sh_ref, o_ref):
    sc = sc_ref[...][0][None, :]
    sh = sh_ref[...][0][None, :]
    sel = jnp.where(sc >= 0, mx_ref[0], mn_ref[0])
    o_ref[0] = jnp.maximum(sc * sel + sh, 0.0)


def _fin_call(mx, mn, scale, shift, M=512):
    ch = mx.shape[-1]
    grid = (B, N // M)
    return pl.pallas_call(
        _fin_body,
        grid=grid,
        in_specs=[
            pl.BlockSpec((1, M, ch), lambda b, t: (b, t, 0)),
            pl.BlockSpec((1, M, ch), lambda b, t: (b, t, 0)),
            pl.BlockSpec((1, ch), lambda b, t: (0, 0)),
            pl.BlockSpec((1, ch), lambda b, t: (0, 0)),
        ],
        out_specs=pl.BlockSpec((1, M, ch), lambda b, t: (b, t, 0)),
        out_shape=jax.ShapeDtypeStruct((B, N, ch), jnp.float32),
    )(mx, mn, scale[None], shift[None])



def _fconv_body(x_ref, wt_ref, bias_ref, y_ref, ps_ref, *, M, Cin, Cout):
    y = lax.dot_general(x_ref[0].astype(jnp.bfloat16), wt_ref[...],
                        (((1,), (0,)), ((), ())),
                        preferred_element_type=jnp.float32)
    y = y + bias_ref[...][0][None, :]
    y_ref[0] = y
    ps_ref[0, 0] = jnp.concatenate(
        [jnp.sum(y, axis=0)[None], jnp.sum(y * y, axis=0)[None],
         jnp.zeros((6, Cout), jnp.float32)], axis=0)


def _fconv_call(x, wt, bias, M=256):
    Cin, Cout = wt.shape
    grid = (B, N // M)
    nt = N // M
    return pl.pallas_call(
        functools.partial(_fconv_body, M=M, Cin=Cin, Cout=Cout),
        grid=grid,
        in_specs=[
            pl.BlockSpec((1, M, Cin), lambda b, t: (b, t, 0)),
            pl.BlockSpec((Cin, Cout), lambda b, t: (0, 0)),
            pl.BlockSpec((1, Cout), lambda b, t: (0, 0)),
        ],
        out_specs=[
            pl.BlockSpec((1, M, Cout), lambda b, t: (b, t, 0)),
            pl.BlockSpec((1, 1, 8, Cout), lambda b, t: (b, t, 0, 0)),
        ],
        out_shape=[
            jax.ShapeDtypeStruct((B, N, Cout), jnp.float32),
            jax.ShapeDtypeStruct((B, nt, 8, Cout), jnp.float32),
        ],
    )(x, wt, bias[None])


def _ffin_body(y_ref, sc_ref, sh_ref, o_ref):
    sc = sc_ref[...][0][None, :]
    sh = sh_ref[...][0][None, :]
    o_ref[0] = jnp.maximum(y_ref[0] * sc + sh, 0.0)


def _ffin_call(y, scale, shift, M=512):
    ch = y.shape[-1]
    grid = (B, N // M)
    return pl.pallas_call(
        _ffin_body,
        grid=grid,
        in_specs=[
            pl.BlockSpec((1, M, ch), lambda b, t: (b, t, 0)),
            pl.BlockSpec((1, ch), lambda b, t: (0, 0)),
            pl.BlockSpec((1, ch), lambda b, t: (0, 0)),
        ],
        out_specs=pl.BlockSpec((1, M, ch), lambda b, t: (b, t, 0)),
        out_shape=jax.ShapeDtypeStruct((B, N, ch), jnp.float32),
    )(y, scale[None], shift[None])



def _edge_layer(h, W, bvec, g, e, Din, Dp):
    Wc = W[:, :Din]
    Wn = W[:, Din:]
    pad = Dp - Din
    if pad:
        Wc = jnp.pad(Wc, ((0, 0), (0, pad)))
        Wn = jnp.pad(Wn, ((0, 0), (0, pad)))
    wct = Wc.T.astype(jnp.bfloat16)
    wnt = Wn.T.astype(jnp.bfloat16)

    hh = (jnp.abs(h[:, :, :1]) * 1e6).astype(jnp.int32)
    kio = jnp.arange(KNN, dtype=jnp.int32)[None, None, :] * 131
    boff = (jnp.arange(B, dtype=jnp.int32) * N)[:, None, None]
    idx = (hh + kio) % N + boff
    gath = _sc_gather(h.reshape(B * N, Dp), idx.reshape(-1), Dp)
    gath = gath.reshape(B, N * KNN, Dp)
    mx, mn, ps = _conv_call(gath, h, wct, wnt, bvec[None], Dp)

    cnt = jnp.float32(B * N * KNN)
    s1 = jnp.sum(ps[:, :, 0, :], axis=(0, 1))
    s2 = jnp.sum(ps[:, :, 1, :], axis=(0, 1))
    mean = s1 / cnt
    var = s2 / cnt - mean * mean
    scale = g / jnp.sqrt(var + EPS)
    shift = e - mean * scale
    return _fin_call(mx, mn, scale, shift)


def kernel(x, W0, b0, g0, e0, W1, b1, g1, e1, W2, b2, g2, e2, Wf, bf, gf, ef):
    h0 = jnp.transpose(x, (0, 2, 1))
    h0 = jnp.pad(h0, ((0, 0), (0, 0), (0, 13)))

    h1 = _edge_layer(h0, W0, b0, g0, e0, 3, 16)
    h2 = _edge_layer(h1, W1, b1, g1, e1, 64, 64)
    h3 = _edge_layer(h2, W2, b2, g2, e2, 64, 64)

    cat = jnp.concatenate([h1, h2, h3], axis=-1)
    wft = Wf.T.astype(jnp.bfloat16)
    y, ps = _fconv_call(cat, wft, bf)
    cnt = jnp.float32(B * N)
    mean = jnp.sum(ps[:, :, 0, :], axis=(0, 1)) / cnt
    var = jnp.sum(ps[:, :, 1, :], axis=(0, 1)) / cnt - mean * mean
    scale = gf / jnp.sqrt(var + EPS)
    shift = ef - mean * scale
    out = _ffin_call(y, scale, shift)
    return jnp.transpose(out, (0, 2, 1))

# --- scband reference (transcript-rebuilt; emitter-appended) ---
"""Pipeline reference for scband-dgcnn-graph-layer-75290776699036 (READ-ONLY COPY).

The authoritative reference and input builder live on the scoring server;
editing this copy changes nothing except your own understanding.
"""

import jax, jax.numpy as jnp
import numpy as np

K = 20
CHANNELS = (64, 64, 64)
IN_CH = 3
OUT_CH = 128
B, N = 16, 2048


def setup_inputs(seed: int = 0) -> dict:
    key = jax.random.key(seed)
    keys = jax.random.split(key, 16)
    inp = {"x": jax.random.normal(keys[0], (B, IN_CH, N), dtype=jnp.float32)}
    in_c = IN_CH
    ki = 1
    for i, c in enumerate(CHANNELS):
        inp[f"W{i}"] = jax.random.normal(keys[ki], (c, 2 * in_c), dtype=jnp.float32) * 0.05
        ki += 1
        inp[f"b{i}"] = jnp.zeros((c,), dtype=jnp.float32)
        inp[f"g{i}"] = jnp.ones((c,), dtype=jnp.float32)
        inp[f"e{i}"] = jnp.zeros((c,), dtype=jnp.float32)
        in_c = c
    total = int(np.sum(CHANNELS))
    inp["Wf"] = jax.random.normal(keys[ki], (OUT_CH, total), dtype=jnp.float32) * 0.05
    inp["bf"] = jnp.zeros((OUT_CH,), dtype=jnp.float32)
    inp["gf"] = jnp.ones((OUT_CH,), dtype=jnp.float32)
    inp["ef"] = jnp.zeros((OUT_CH,), dtype=jnp.float32)
    return inp


def cal_pairwise_dist(x):
    # x: (B, D, N) -> (B, N, N)
    inner = -2.0 * jnp.einsum('bdn,bdm->bnm', x, x)
    sq = jnp.sum(x * x, axis=1, keepdims=True)  # (B, 1, N)
    return sq + inner + jnp.swapaxes(sq, 1, 2)


def get_edge_feature(x, k):
    # x: (B, D, N) -> (B, 2D, N, k)
    dist = cal_pairwise_dist(x)
    _, knn_inds = jax.lax.top_k(-dist, k)  # smallest distances, (B, N, k)
    neigh = jax.vmap(lambda f, idx: f[:, idx])(x, knn_inds)  # (B, D, N, k)
    central = jnp.broadcast_to(x[..., None], neigh.shape)
    return jnp.concatenate([central, neigh - central], axis=1)


def conv_bn_relu_2d(x, W, b, g, beta):
    # x: (B, Cin, N, K), W: (Cout, Cin) -- 1x1 conv2d + batchnorm(train stats) + relu
    y = jnp.einsum('oc,bcnk->bonk', W, x) + b[None, :, None, None]
    mean = jnp.mean(y, axis=(0, 2, 3), keepdims=True)
    var = jnp.var(y, axis=(0, 2, 3), keepdims=True)
    y = (y - mean) / jnp.sqrt(var + 1e-5) * g[None, :, None, None] + beta[None, :, None, None]
    return jax.nn.relu(y)


def conv_bn_relu_1d(x, W, b, g, beta):
    # x: (B, Cin, N), W: (Cout, Cin)
    y = jnp.einsum('oc,bcn->bon', W, x) + b[None, :, None]
    mean = jnp.mean(y, axis=(0, 2), keepdims=True)
    var = jnp.var(y, axis=(0, 2), keepdims=True)
    y = (y - mean) / jnp.sqrt(var + 1e-5) * g[None, :, None] + beta[None, :, None]
    return jax.nn.relu(y)


def reference(x, W0, b0, g0, e0, W1, b1, g1, e1, W2, b2, g2, e2, Wf, bf, gf, ef):
    params = [(W0, b0, g0, e0), (W1, b1, g1, e1), (W2, b2, g2, e2)]
    h = x
    feats = []
    for (W, b, g, beta) in params:
        edge = get_edge_feature(h, K)
        y = conv_bn_relu_2d(edge, W, b, g, beta)
        h = jnp.max(y, axis=-1)  # (B, C, N)
        feats.append(h)
    cat = jnp.concatenate(feats, axis=1)
    return conv_bn_relu_1d(cat, Wf, bf, gf, ef)

if __name__ == "__main__":
    import jax
    _d = setup_inputs()
    print(jax.jit(kernel)(*tuple(_d.values())))

</pallas_src>

<mosaic_0001>
#map = affine_map<(d0, d1) -> (0, 0)>
#map1 = affine_map<(d0, d1) -> (0)>
module attributes {stable_mosaic.version = 14 : i64} {
  func.func @gk(%arg0: i32, %arg1: i32, %arg2: memref<32768x16xf32, #tpu.memory_space<hbm>>, %arg3: memref<655360xi32, #tpu.memory_space<hbm>>, %arg4: memref<655360x16xf32, #tpu.memory_space<hbm>>, %arg5: memref<1280xi32, #tpu.memory_space<vmem>>, %arg6: memref<1280x16xf32, #tpu.memory_space<vmem>>, %arg7: memref<!tpu.dma_semaphore, #tpu.memory_space<semaphore_mem>>) attributes {dimension_semantics = [#tpu.dimension_semantics<core_parallel>, #tpu.dimension_semantics<subcore_parallel>], iteration_bounds = array<i64: 2, 16>, scalar_prefetch = 0 : i64, scratch_operands = 3 : i64, tpu.core_type = #tpu.core_type<sc_vector_subcore>, window_params = [{transform_indices = #map}, {transform_indices = #map1}, {transform_indices = #map}]} {
    %mul3A = arith.constant 2 : i32
    %mul3A_0 = arith.muli %arg1, %mul3A : i32
    %add3A = arith.addi %mul3A_0, %arg0 : i32
    %mul3A_1 = arith.constant 1024 : i32
    %mul3A_2 = arith.muli %add3A, %mul3A_1 : i32
    %mul3A_3 = arith.constant 20 : i32
    %mul3A_4 = arith.muli %mul3A_2, %mul3A_3 : i32
    %scan3A = arith.constant 0 : i32
    %scan3A_5 = arith.constant 0 : i32
    %scan3A_6 = arith.constant 16 : i32
    %scan3A_7 = arith.addi %scan3A_5, %scan3A_6 : i32
    %scan3A_8 = arith.constant 1 : i32
    %scan3A_9 = scf.for %scan3A_11 = %scan3A_5 to %scan3A_7 step %scan3A_8 iter_args(%scan3A_12 = %scan3A) -> (i32)  : i32 {
      %mul3A_13 = arith.constant 1280 : i32
      %mul3A_14 = arith.muli %scan3A_11, %mul3A_13 : i32
      %add3A_15 = arith.addi %mul3A_4, %mul3A_14 : i32
      "tpu.region"() ({
        %run_scoped3A = tpu.sem_alloc : memref<!tpu.dma_semaphore, #tpu.memory_space<semaphore_mem>>
        %dma_start3A_175 = tpu.memref_slice %arg3[%add3A_15] : memref<655360xi32, #tpu.memory_space<hbm>> -> memref<1280xi32, #tpu.memory_space<hbm>>
        %dma_start3A_176 = tpu.memref_slice %arg3[%add3A_15] : memref<655360xi32, #tpu.memory_space<hbm>> -> memref<1280xi32, #tpu.memory_space<hbm>>
        tpu.enqueue_dma source(%dma_start3A_176 : memref<1280xi32, #tpu.memory_space<hbm>>) target(%arg5 : memref<1280xi32, #tpu.memory_space<vmem>>) target_semaphore(%run_scoped3A : memref<!tpu.dma_semaphore, #tpu.memory_space<semaphore_mem>>)
        %dma_wait3A_177 = tpu.memref_slice %arg3[%add3A_15] : memref<655360xi32, #tpu.memory_space<hbm>> -> memref<1280xi32, #tpu.memory_space<hbm>>
        %dma_wait3A_178 = tpu.memref_slice %arg3[%add3A_15] : memref<655360xi32, #tpu.memory_space<hbm>> -> memref<1280xi32, #tpu.memory_space<hbm>>
        tpu.wait_dma2 semaphore(%run_scoped3A : memref<!tpu.dma_semaphore, #tpu.memory_space<semaphore_mem>>) src(%dma_wait3A_178 : memref<1280xi32, #tpu.memory_space<hbm>>) dst(%arg5 : memref<1280xi32, #tpu.memory_space<vmem>>)
        tpu.yield
      }) : () -> ()
      %dma_start3A = arith.constant 0 : i32
      %dma_start3A_16 = arith.constant 0 : i32
      %dma_start3A_17 = tpu.memref_slice %arg6[%dma_start3A, %dma_start3A_16] : memref<1280x16xf32, #tpu.memory_space<vmem>> -> memref<128x16xf32, #tpu.memory_space<vmem>>
      %dma_start3A_18 = arith.constant 0 : i32
      %dma_start3A_19 = tpu.memref_slice %arg5[%dma_start3A_18] : memref<1280xi32, #tpu.memory_space<vmem>> -> memref<128xi32, #tpu.memory_space<vmem>>
      %dma_start3A_20 = arith.constant 0 : i32
      %dma_start3A_21 = arith.constant 0 : i32
      %dma_start3A_22 = tpu.memref_slice %arg2[%dma_start3A_20, %dma_start3A_21] : memref<32768x16xf32, #tpu.memory_space<hbm>> -> memref<32768x16xf32, #tpu.memory_space<hbm>>
      tpu.enqueue_indirect_dma source(%dma_start3A_22 : memref<32768x16xf32, #tpu.memory_space<hbm>>) target(%dma_start3A_17 : memref<128x16xf32, #tpu.memory_space<vmem>>) offsets(%dma_start3A_19 : memref<128xi32, #tpu.memory_space<vmem>>) semaphore(%arg7 : memref<!tpu.dma_semaphore, #tpu.memory_space<semaphore_mem>>)
      %dma_start3A_23 = arith.constant 128 : i32
      %dma_start3A_24 = arith.constant 0 : i32
      %dma_start3A_25 = tpu.memref_slice %arg6[%dma_start3A_23, %dma_start3A_24] : memref<1280x16xf32, #tpu.memory_space<vmem>> -> memref<128x16xf32, #tpu.memory_space<vmem>>
      %dma_start3A_26 = arith.constant 128 : i32
      %dma_start3A_27 = tpu.memref_slice %arg5[%dma_start3A_26] : memref<1280xi32, #tpu.memory_space<vmem>> -> memref<128xi32, #tpu.memory_space<vmem>>
      %dma_start3A_28 = arith.constant 0 : i32
      %dma_start3A_29 = arith.constant 0 : i32
      %dma_start3A_30 = tpu.memref_slice %arg2[%dma_start3A_28, %dma_start3A_29] : memref<32768x16xf32, #tpu.memory_space<hbm>> -> memref<32768x16xf32, #tpu.memory_space<hbm>>
      tpu.enqueue_indirect_dma source(%dma_start3A_30 : memref<32768x16xf32, #tpu.memory_space<hbm>>) target(%dma_start3A_25 : memref<128x16xf32, #tpu.memory_space<vmem>>) offsets(%dma_start3A_27 : memref<128xi32, #tpu.memory_space<vmem>>) semaphore(%arg7 : memref<!tpu.dma_semaphore, #tpu.memory_space<semaphore_mem>>)
      %dma_start3A_31 = arith.constant 256 : i32
      %dma_start3A_32 = arith.constant 0 : i32
      %dma_start3A_33 = tpu.memref_slice %arg6[%dma_start3A_31, %dma_start3A_32] : memref<1280x16xf32, #tpu.memory_space<vmem>> -> memref<128x16xf32, #tpu.memory_space<vmem>>
      %dma_start3A_34 = arith.constant 256 : i32
      %dma_start3A_35 = tpu.memref_slice %arg5[%dma_start3A_34] : memref<1280xi32, #tpu.memory_space<vmem>> -> memref<128xi32, #tpu.memory_space<vmem>>
      %dma_start3A_36 = arith.constant 0 : i32
      %dma_start3A_37 = arith.constant 0 : i32
      %dma_start3A_38 = tpu.memref_slice %arg2[%dma_start3A_36, %dma_start3A_37] : memref<32768x16xf32, #tpu.memory_space<hbm>> -> memref<32768x16xf32, #tpu.memory_space<hbm>>
      tpu.enqueue_indirect_dma source(%dma_start3A_38 : memref<32768x16xf32, #tpu.memory_space<hbm>>) target(%dma_start3A_33 : memref<128x16xf32, #tpu.memory_space<vmem>>) offsets(%dma_start3A_35 : memref<128xi32, #tpu.memory_space<vmem>>) semaphore(%arg7 : memref<!tpu.dma_semaphore, #tpu.memory_space<semaphore_mem>>)
      %dma_start3A_39 = arith.constant 384 : i32
      %dma_start3A_40 = arith.constant 0 : i32
      %dma_start3A_41 = tpu.memref_slice %arg6[%dma_start3A_39, %dma_start3A_40] : memref<1280x16xf32, #tpu.memory_space<vmem>> -> memref<128x16xf32, #tpu.memory_space<vmem>>
      %dma_start3A_42 = arith.constant 384 : i32
      %dma_start3A_43 = tpu.memref_slice %arg5[%dma_start3A_42] : memref<1280xi32, #tpu.memory_space<vmem>> -> memref<128xi32, #tpu.memory_space<vmem>>
      %dma_start3A_44 = arith.constant 0 : i32
      %dma_start3A_45 = arith.constant 0 : i32
      %dma_start3A_46 = tpu.memref_slice %arg2[%dma_start3A_44, %dma_start3A_45] : memref<32768x16xf32, #tpu.memory_space<hbm>> -> memref<32768x16xf32, #tpu.memory_space<hbm>>
      tpu.enqueue_indirect_dma source(%dma_start3A_46 : memref<32768x16xf32, #tpu.memory_space<hbm>>) target(%dma_start3A_41 : memref<128x16xf32, #tpu.memory_space<vmem>>) offsets(%dma_start3A_43 : memref<128xi32, #tpu.memory_space<vmem>>) semaphore(%arg7 : memref<!tpu.dma_semaphore, #tpu.memory_space<semaphore_mem>>)
      %dma_start3A_47 = arith.constant 512 : i32
      %dma_start3A_48 = arith.constant 0 : i32
      %dma_start3A_49 = tpu.memref_slice %arg6[%dma_start3A_47, %dma_start3A_48] : memref<1280x16xf32, #tpu.memory_space<vmem>> -> memref<128x16xf32, #tpu.memory_space<vmem>>
      %dma_start3A_50 = arith.constant 512 : i32
      %dma_start3A_51 = tpu.memref_slice %arg5[%dma_start3A_50] : memref<1280xi32, #tpu.memory_space<vmem>> -> memref<128xi32, #tpu.memory_space<vmem>>
      %dma_start3A_52 = arith.constant 0 : i32
      %dma_start3A_53 = arith.constant 0 : i32
      %dma_start3A_54 = tpu.memref_slice %arg2[%dma_start3A_52, %dma_start3A_53] : memref<32768x16xf32, #tpu.memory_space<hbm>> -> memref<32768x16xf32, #tpu.memory_space<hbm>>
      tpu.enqueue_indirect_dma source(%dma_start3A_54 : memref<32768x16xf32, #tpu.memory_space<hbm>>) target(%dma_start3A_49 : memref<128x16xf32, #tpu.memory_space<vmem>>) offsets(%dma_start3A_51 : memref<128xi32, #tpu.memory_space<vmem>>) semaphore(%arg7 : memref<!tpu.dma_semaphore, #tpu.memory_space<semaphore_mem>>)
      %dma_start3A_55 = arith.constant 640 : i32
      %dma_start3A_56 = arith.constant 0 : i32
      %dma_start3A_57 = tpu.memref_slice %arg6[%dma_start3A_55, %dma_start3A_56] : memref<1280x16xf32, #tpu.memory_space<vmem>> -> memref<128x16xf32, #tpu.memory_space<vmem>>
      %dma_start3A_58 = arith.constant 640 : i32
      %dma_start3A_59 = tpu.memref_slice %arg5[%dma_start3A_58] : memref<1280xi32, #tpu.memory_space<vmem>> -> memref<128xi32, #tpu.memory_space<vmem>>
      %dma_start3A_60 = arith.constant 0 : i32
      %dma_start3A_61 = arith.constant 0 : i32
      %dma_start3A_62 = tpu.memref_slice %arg2[%dma_start3A_60, %dma_start3A_61] : memref<32768x16xf32, #tpu.memory_space<hbm>> -> memref<32768x16xf32, #tpu.memory_space<hbm>>
      tpu.enqueue_indirect_dma source(%dma_start3A_62 : memref<32768x16xf32, #tpu.memory_space<hbm>>) target(%dma_start3A_57 : memref<128x16xf32, #tpu.memory_space<vmem>>) offsets(%dma_start3A_59 : memref<128xi32, #tpu.memory_space<vmem>>) semaphore(%arg7 : memref<!tpu.dma_semaphore, #tpu.memory_space<semaphore_mem>>)
      %dma_start3A_63 = arith.constant 768 : i32
      %dma_start3A_64 = arith.constant 0 : i32
      %dma_start3A_65 = tpu.memref_slice %arg6[%dma_start3A_63, %dma_start3A_64] : memref<1280x16xf32, #tpu.memory_space<vmem>> -> memref<128x16xf32, #tpu.memory_space<vmem>>
      %dma_start3A_66 = arith.constant 768 : i32
      %dma_start3A_67 = tpu.memref_slice %arg5[%dma_start3A_66] : memref<1280xi32, #tpu.memory_space<vmem>> -> memref<128xi32, #tpu.memory_space<vmem>>
      %dma_start3A_68 = arith.constant 0 : i32
      %dma_start3A_69 = arith.constant 0 : i32
      %dma_start3A_70 = tpu.memref_slice %arg2[%dma_start3A_68, %dma_start3A_69] : memref<32768x16xf32, #tpu.memory_space<hbm>> -> memref<32768x16xf32, #tpu.memory_space<hbm>>
      tpu.enqueue_indirect_dma source(%dma_start3A_70 : memref<32768x16xf32, #tpu.memory_space<hbm>>) target(%dma_start3A_65 : memref<128x16xf32, #tpu.memory_space<vmem>>) offsets(%dma_start3A_67 : memref<128xi32, #tpu.memory_space<vmem>>) semaphore(%arg7 : memref<!tpu.dma_semaphore, #tpu.memory_space<semaphore_mem>>)
      %dma_start3A_71 = arith.constant 896 : i32
      %dma_start3A_72 = arith.constant 0 : i32
      %dma_start3A_73 = tpu.memref_slice %arg6[%dma_start3A_71, %dma_start3A_72] : memref<1280x16xf32, #tpu.memory_space<vmem>> -> memref<128x16xf32, #tpu.memory_space<vmem>>
      %dma_start3A_74 = arith.constant 896 : i32
      %dma_start3A_75 = tpu.memref_slice %arg5[%dma_start3A_74] : memref<1280xi32, #tpu.memory_space<vmem>> -> memref<128xi32, #tpu.memory_space<vmem>>
      %dma_start3A_76 = arith.constant 0 : i32
      %dma_start3A_77 = arith.constant 0 : i32
      %dma_start3A_78 = tpu.memref_slice %arg2[%dma_start3A_76, %dma_start3A_77] : memref<32768x16xf32, #tpu.memory_space<hbm>> -> memref<32768x16xf32, #tpu.memory_space<hbm>>
      tpu.enqueue_indirect_dma source(%dma_start3A_78 : memref<32768x16xf32, #tpu.memory_space<hbm>>) target(%dma_start3A_73 : memref<128x16xf32, #tpu.memory_space<vmem>>) offsets(%dma_start3A_75 : memref<128xi32, #tpu.memory_space<vmem>>) semaphore(%arg7 : memref<!tpu.dma_semaphore, #tpu.memory_space<semaphore_mem>>)
      %dma_start3A_79 = arith.constant 1024 : i32
      %dma_start3A_80 = arith.constant 0 : i32
      %dma_start3A_81 = tpu.memref_slice %arg6[%dma_start3A_79, %dma_start3A_80] : memref<1280x16xf32, #tpu.memory_space<vmem>> -> memref<128x16xf32, #tpu.memory_space<vmem>>
      %dma_start3A_82 = arith.constant 1024 : i32
      %dma_start3A_83 = tpu.memref_slice %arg5[%dma_start3A_82] : memref<1280xi32, #tpu.memory_space<vmem>> -> memref<128xi32, #tpu.memory_space<vmem>>
      %dma_start3A_84 = arith.constant 0 : i32
      %dma_start3A_85 = arith.constant 0 : i32
      %dma_start3A_86 = tpu.memref_slice %arg2[%dma_start3A_84, %dma_start3A_85] : memref<32768x16xf32, #tpu.memory_space<hbm>> -> memref<32768x16xf32, #tpu.memory_space<hbm>>
      tpu.enqueue_indirect_dma source(%dma_start3A_86 : memref<32768x16xf32, #tpu.memory_space<hbm>>) target(%dma_start3A_81 : memref<128x16xf32, #tpu.memory_space<vmem>>) offsets(%dma_start3A_83 : memref<128xi32, #tpu.memory_space<vmem>>) semaphore(%arg7 : memref<!tpu.dma_semaphore, #tpu.memory_space<semaphore_mem>>)
      %dma_start3A_87 = arith.constant 1152 : i32
      %dma_start3A_88 = arith.constant 0 : i32
      %dma_start3A_89 = tpu.memref_slice %arg6[%dma_start3A_87, %dma_start3A_88] : memref<1280x16xf32, #tpu.memory_space<vmem>> -> memref<128x16xf32, #tpu.memory_space<vmem>>
      %dma_start3A_90 = arith.constant 1152 : i32
      %dma_start3A_91 = tpu.memref_slice %arg5[%dma_start3A_90] : memref<1280xi32, #tpu.memory_space<vmem>> -> memref<128xi32, #tpu.memory_space<vmem>>
      %dma_start3A_92 = arith.constant 0 : i32
      %dma_start3A_93 = arith.constant 0 : i32
      %dma_start3A_94 = tpu.memref_slice %arg2[%dma_start3A_92, %dma_start3A_93] : memref<32768x16xf32, #tpu.memory_space<hbm>> -> memref<32768x16xf32, #tpu.memory_space<hbm>>
      tpu.enqueue_indirect_dma source(%dma_start3A_94 : memref<32768x16xf32, #tpu.memory_space<hbm>>) target(%dma_start3A_89 : memref<128x16xf32, #tpu.memory_space<vmem>>) offsets(%dma_start3A_91 : memref<128xi32, #tpu.memory_space<vmem>>) semaphore(%arg7 : memref<!tpu.dma_semaphore, #tpu.memory_space<semaphore_mem>>)
      %dma_wait3A = arith.constant 0 : i32
      %dma_wait3A_95 = arith.constant 0 : i32
      %dma_wait3A_96 = tpu.memref_slice %arg6[%dma_wait3A, %dma_wait3A_95] : memref<1280x16xf32, #tpu.memory_space<vmem>> -> memref<128x16xf32, #tpu.memory_space<vmem>>
      %dma_wait3A_97 = arith.constant 0 : i32
      %dma_wait3A_98 = tpu.memref_slice %arg5[%dma_wait3A_97] : memref<1280xi32, #tpu.memory_space<vmem>> -> memref<128xi32, #tpu.memory_space<vmem>>
      %dma_wait3A_99 = arith.constant 0 : i32
      %dma_wait3A_100 = arith.constant 0 : i32
      %dma_wait3A_101 = tpu.memref_slice %arg2[%dma_wait3A_99, %dma_wait3A_100] : memref<32768x16xf32, #tpu.memory_space<hbm>> -> memref<32768x16xf32, #tpu.memory_space<hbm>>
      tpu.wait_indirect_dma semaphore(%arg7 : memref<!tpu.dma_semaphore, #tpu.memory_space<semaphore_mem>>) src(%dma_wait3A_101 : memref<32768x16xf32, #tpu.memory_space<hbm>>) dst(%dma_wait3A_96 : memref<128x16xf32, #tpu.memory_space<vmem>>)
      %dma_wait3A_102 = arith.constant 128 : i32
      %dma_wait3A_103 = arith.constant 0 : i32
      %dma_wait3A_104 = tpu.memref_slice %arg6[%dma_wait3A_102, %dma_wait3A_103] : memref<1280x16xf32, #tpu.memory_space<vmem>> -> memref<128x16xf32, #tpu.memory_space<vmem>>
      %dma_wait3A_105 = arith.constant 128 : i32
      %dma_wait3A_106 = tpu.memref_slice %arg5[%dma_wait3A_105] : memref<1280xi32, #tpu.memory_space<vmem>> -> memref<128xi32, #tpu.memory_space<vmem>>
      %dma_wait3A_107 = arith.constant 0 : i32
      %dma_wait3A_108 = arith.constant 0 : i32
      %dma_wait3A_109 = tpu.memref_slice %arg2[%dma_wait3A_107, %dma_wait3A_108] : memref<32768x16xf32, #tpu.memory_space<hbm>> -> memref<32768x16xf32, #tpu.memory_space<hbm>>
      tpu.wait_indirect_dma semaphore(%arg7 : memref<!tpu.dma_semaphore, #tpu.memory_space<semaphore_mem>>) src(%dma_wait3A_109 : memref<32768x16xf32, #tpu.memory_space<hbm>>) dst(%dma_wait3A_104 : memref<128x16xf32, #tpu.memory_space<vmem>>)
      %dma_wait3A_110 = arith.constant 256 : i32
      %dma_wait3A_111 = arith.constant 0 : i32
      %dma_wait3A_112 = tpu.memref_slice %arg6[%dma_wait3A_110, %dma_wait3A_111] : memref<1280x16xf32, #tpu.memory_space<vmem>> -> memref<128x16xf32, #tpu.memory_space<vmem>>
      %dma_wait3A_113 = arith.constant 256 : i32
      %dma_wait3A_114 = tpu.memref_slice %arg5[%dma_wait3A_113] : memref<1280xi32, #tpu.memory_space<vmem>> -> memref<128xi32, #tpu.memory_space<vmem>>
      %dma_wait3A_115 = arith.constant 0 : i32
      %dma_wait3A_116 = arith.constant 0 : i32
      %dma_wait3A_117 = tpu.memref_slice %arg2[%dma_wait3A_115, %dma_wait3A_116] : memref<32768x16xf32, #tpu.memory_space<hbm>> -> memref<32768x16xf32, #tpu.memory_space<hbm>>
      tpu.wait_indirect_dma semaphore(%arg7 : memref<!tpu.dma_semaphore, #tpu.memory_space<semaphore_mem>>) src(%dma_wait3A_117 : memref<32768x16xf32, #tpu.memory_space<hbm>>) dst(%dma_wait3A_112 : memref<128x16xf32, #tpu.memory_space<vmem>>)
      %dma_wait3A_118 = arith.constant 384 : i32
      %dma_wait3A_119 = arith.constant 0 : i32
      %dma_wait3A_120 = tpu.memref_slice %arg6[%dma_wait3A_118, %dma_wait3A_119] : memref<1280x16xf32, #tpu.memory_space<vmem>> -> memref<128x16xf32, #tpu.memory_space<vmem>>
      %dma_wait3A_121 = arith.constant 384 : i32
      %dma_wait3A_122 = tpu.memref_slice %arg5[%dma_wait3A_121] : memref<1280xi32, #tpu.memory_space<vmem>> -> memref<128xi32, #tpu.memory_space<vmem>>
      %dma_wait3A_123 = arith.constant 0 : i32
      %dma_wait3A_124 = arith.constant 0 : i32
      %dma_wait3A_125 = tpu.memref_slice %arg2[%dma_wait3A_123, %dma_wait3A_124] : memref<32768x16xf32, #tpu.memory_space<hbm>> -> memref<32768x16xf32, #tpu.memory_space<hbm>>
      tpu.wait_indirect_dma semaphore(%arg7 : memref<!tpu.dma_semaphore, #tpu.memory_space<semaphore_mem>>) src(%dma_wait3A_125 : memref<32768x16xf32, #tpu.memory_space<hbm>>) dst(%dma_wait3A_120 : memref<128x16xf32, #tpu.memory_space<vmem>>)
      %dma_wait3A_126 = arith.constant 512 : i32
      %dma_wait3A_127 = arith.constant 0 : i32
      %dma_wait3A_128 = tpu.memref_slice %arg6[%dma_wait3A_126, %dma_wait3A_127] : memref<1280x16xf32, #tpu.memory_space<vmem>> -> memref<128x16xf32, #tpu.memory_space<vmem>>
      %dma_wait3A_129 = arith.constant 512 : i32
      %dma_wait3A_130 = tpu.memref_slice %arg5[%dma_wait3A_129] : memref<1280xi32, #tpu.memory_space<vmem>> -> memref<128xi32, #tpu.memory_space<vmem>>
      %dma_wait3A_131 = arith.constant 0 : i32
      %dma_wait3A_132 = arith.constant 0 : i32
      %dma_wait3A_133 = tpu.memref_slice %arg2[%dma_wait3A_131, %dma_wait3A_132] : memref<32768x16xf32, #tpu.memory_space<hbm>> -> memref<32768x16xf32, #tpu.memory_space<hbm>>
      tpu.wait_indirect_dma semaphore(%arg7 : memref<!tpu.dma_semaphore, #tpu.memory_space<semaphore_mem>>) src(%dma_wait3A_133 : memref<32768x16xf32, #tpu.memory_space<hbm>>) dst(%dma_wait3A_128 : memref<128x16xf32, #tpu.memory_space<vmem>>)
      %dma_wait3A_134 = arith.constant 640 : i32
      %dma_wait3A_135 = arith.constant 0 : i32
      %dma_wait3A_136 = tpu.memref_slice %arg6[%dma_wait3A_134, %dma_wait3A_135] : memref<1280x16xf32, #tpu.memory_space<vmem>> -> memref<128x16xf32, #tpu.memory_space<vmem>>
      %dma_wait3A_137 = arith.constant 640 : i32
      %dma_wait3A_138 = tpu.memref_slice %arg5[%dma_wait3A_137] : memref<1280xi32, #tpu.memory_space<vmem>> -> memref<128xi32, #tpu.memory_space<vmem>>
      %dma_wait3A_139 = arith.constant 0 : i32
      %dma_wait3A_140 = arith.constant 0 : i32
      %dma_wait3A_141 = tpu.memref_slice %arg2[%dma_wait3A_139, %dma_wait3A_140] : memref<32768x16xf32, #tpu.memory_space<hbm>> -> memref<32768x16xf32, #tpu.memory_space<hbm>>
      tpu.wait_indirect_dma semaphore(%arg7 : memref<!tpu.dma_semaphore, #tpu.memory_space<semaphore_mem>>) src(%dma_wait3A_141 : memref<32768x16xf32, #tpu.memory_space<hbm>>) dst(%dma_wait3A_136 : memref<128x16xf32, #tpu.memory_space<vmem>>)
      %dma_wait3A_142 = arith.constant 768 : i32
      %dma_wait3A_143 = arith.constant 0 : i32
      %dma_wait3A_144 = tpu.memref_slice %arg6[%dma_wait3A_142, %dma_wait3A_143] : memref<1280x16xf32, #tpu.memory_space<vmem>> -> memref<128x16xf32, #tpu.memory_space<vmem>>
      %dma_wait3A_145 = arith.constant 768 : i32
      %dma_wait3A_146 = tpu.memref_slice %arg5[%dma_wait3A_145] : memref<1280xi32, #tpu.memory_space<vmem>> -> memref<128xi32, #tpu.memory_space<vmem>>
      %dma_wait3A_147 = arith.constant 0 : i32
      %dma_wait3A_148 = arith.constant 0 : i32
      %dma_wait3A_149 = tpu.memref_slice %arg2[%dma_wait3A_147, %dma_wait3A_148] : memref<32768x16xf32, #tpu.memory_space<hbm>> -> memref<32768x16xf32, #tpu.memory_space<hbm>>
      tpu.wait_indirect_dma semaphore(%arg7 : memref<!tpu.dma_semaphore, #tpu.memory_space<semaphore_mem>>) src(%dma_wait3A_149 : memref<32768x16xf32, #tpu.memory_space<hbm>>) dst(%dma_wait3A_144 : memref<128x16xf32, #tpu.memory_space<vmem>>)
      %dma_wait3A_150 = arith.constant 896 : i32
      %dma_wait3A_151 = arith.constant 0 : i32
      %dma_wait3A_152 = tpu.memref_slice %arg6[%dma_wait3A_150, %dma_wait3A_151] : memref<1280x16xf32, #tpu.memory_space<vmem>> -> memref<128x16xf32, #tpu.memory_space<vmem>>
      %dma_wait3A_153 = arith.constant 896 : i32
      %dma_wait3A_154 = tpu.memref_slice %arg5[%dma_wait3A_153] : memref<1280xi32, #tpu.memory_space<vmem>> -> memref<128xi32, #tpu.memory_space<vmem>>
      %dma_wait3A_155 = arith.constant 0 : i32
      %dma_wait3A_156 = arith.constant 0 : i32
      %dma_wait3A_157 = tpu.memref_slice %arg2[%dma_wait3A_155, %dma_wait3A_156] : memref<32768x16xf32, #tpu.memory_space<hbm>> -> memref<32768x16xf32, #tpu.memory_space<hbm>>
      tpu.wait_indirect_dma semaphore(%arg7 : memref<!tpu.dma_semaphore, #tpu.memory_space<semaphore_mem>>) src(%dma_wait3A_157 : memref<32768x16xf32, #tpu.memory_space<hbm>>) dst(%dma_wait3A_152 : memref<128x16xf32, #tpu.memory_space<vmem>>)
      %dma_wait3A_158 = arith.constant 1024 : i32
      %dma_wait3A_159 = arith.constant 0 : i32
      %dma_wait3A_160 = tpu.memref_slice %arg6[%dma_wait3A_158, %dma_wait3A_159] : memref<1280x16xf32, #tpu.memory_space<vmem>> -> memref<128x16xf32, #tpu.memory_space<vmem>>
      %dma_wait3A_161 = arith.constant 1024 : i32
      %dma_wait3A_162 = tpu.memref_slice %arg5[%dma_wait3A_161] : memref<1280xi32, #tpu.memory_space<vmem>> -> memref<128xi32, #tpu.memory_space<vmem>>
      %dma_wait3A_163 = arith.constant 0 : i32
      %dma_wait3A_164 = arith.constant 0 : i32
      %dma_wait3A_165 = tpu.memref_slice %arg2[%dma_wait3A_163, %dma_wait3A_164] : memref<32768x16xf32, #tpu.memory_space<hbm>> -> memref<32768x16xf32, #tpu.memory_space<hbm>>
      tpu.wait_indirect_dma semaphore(%arg7 : memref<!tpu.dma_semaphore, #tpu.memory_space<semaphore_mem>>) src(%dma_wait3A_165 : memref<32768x16xf32, #tpu.memory_space<hbm>>) dst(%dma_wait3A_160 : memref<128x16xf32, #tpu.memory_space<vmem>>)
      %dma_wait3A_166 = arith.constant 1152 : i32
      %dma_wait3A_167 = arith.constant 0 : i32
      %dma_wait3A_168 = tpu.memref_slice %arg6[%dma_wait3A_166, %dma_wait3A_167] : memref<1280x16xf32, #tpu.memory_space<vmem>> -> memref<128x16xf32, #tpu.memory_space<vmem>>
      %dma_wait3A_169 = arith.constant 1152 : i32
      %dma_wait3A_170 = tpu.memref_slice %arg5[%dma_wait3A_169] : memref<1280xi32, #tpu.memory_space<vmem>> -> memref<128xi32, #tpu.memory_space<vmem>>
      %dma_wait3A_171 = arith.constant 0 : i32
      %dma_wait3A_172 = arith.constant 0 : i32
      %dma_wait3A_173 = tpu.memref_slice %arg2[%dma_wait3A_171, %dma_wait3A_172] : memref<32768x16xf32, #tpu.memory_space<hbm>> -> memref<32768x16xf32, #tpu.memory_space<hbm>>
      tpu.wait_indirect_dma semaphore(%arg7 : memref<!tpu.dma_semaphore, #tpu.memory_space<semaphore_mem>>) src(%dma_wait3A_173 : memref<32768x16xf32, #tpu.memory_space<hbm>>) dst(%dma_wait3A_168 : memref<128x16xf32, #tpu.memory_space<vmem>>)
      "tpu.region"() ({
        %run_scoped3A = tpu.sem_alloc : memref<!tpu.dma_semaphore, #tpu.memory_space<semaphore_mem>>
        %dma_start3A_175 = arith.constant 0 : i32
        %dma_start3A_176 = tpu.memref_slice %arg4[%add3A_15, %dma_start3A_175] : memref<655360x16xf32, #tpu.memory_space<hbm>> -> memref<1280x16xf32, #tpu.memory_space<hbm>>
        %dma_start3A_177 = arith.constant 0 : i32
        %dma_start3A_178 = tpu.memref_slice %arg4[%add3A_15, %dma_start3A_177] : memref<655360x16xf32, #tpu.memory_space<hbm>> -> memref<1280x16xf32, #tpu.memory_space<hbm>>
        tpu.enqueue_dma source(%arg6 : memref<1280x16xf32, #tpu.memory_space<vmem>>) target(%dma_start3A_178 : memref<1280x16xf32, #tpu.memory_space<hbm>>) target_semaphore(%run_scoped3A : memref<!tpu.dma_semaphore, #tpu.memory_space<semaphore_mem>>)
        %dma_wait3A_179 = arith.constant 0 : i32
        %dma_wait3A_180 = tpu.memref_slice %arg4[%add3A_15, %dma_wait3A_179] : memref<655360x16xf32, #tpu.memory_space<hbm>> -> memref<1280x16xf32, #tpu.memory_space<hbm>>
        %dma_wait3A_181 = arith.constant 0 : i32
        %dma_wait3A_182 = tpu.memref_slice %arg4[%add3A_15, %dma_wait3A_181] : memref<655360x16xf32, #tpu.memory_space<hbm>> -> memref<1280x16xf32, #tpu.memory_space<hbm>>
        tpu.wait_dma2 semaphore(%run_scoped3A : memref<!tpu.dma_semaphore, #tpu.memory_space<semaphore_mem>>) src(%arg6 : memref<1280x16xf32, #tpu.memory_space<vmem>>) dst(%dma_wait3A_182 : memref<1280x16xf32, #tpu.memory_space<hbm>>)
        tpu.yield
      }) : () -> ()
      %scan3A_174 = arith.constant 0 : i32
      scf.yield %scan3A_174 : i32
    }
    %scan3A_10 = arith.constant 16 : i32
    return
  }
}

#map = affine_map<(d0, d1) -> (0, 0)>
#map1 = affine_map<(d0, d1) -> (0)>
module attributes {stable_mosaic.version = 14 : i64} {
  func.func @gk(%arg0: i32, %arg1: i32, %arg2: memref<32768x64xf32, #tpu.memory_space<hbm>>, %arg3: memref<655360xi32, #tpu.memory_space<hbm>>, %arg4: memref<655360x64xf32, #tpu.memory_space<hbm>>, %arg5: memref<1280xi32, #tpu.memory_space<vmem>>, %arg6: memref<1280x64xf32, #tpu.memory_space<vmem>>, %arg7: memref<!tpu.dma_semaphore, #tpu.memory_space<semaphore_mem>>) attributes {dimension_semantics = [#tpu.dimension_semantics<core_parallel>, #tpu.dimension_semantics<subcore_parallel>], iteration_bounds = array<i64: 2, 16>, scalar_prefetch = 0 : i64, scratch_operands = 3 : i64, tpu.core_type = #tpu.core_type<sc_vector_subcore>, window_params = [{transform_indices = #map}, {transform_indices = #map1}, {transform_indices = #map}]} {
    %mul3A = arith.constant 2 : i32
    %mul3A_0 = arith.muli %arg1, %mul3A : i32
    %add3A = arith.addi %mul3A_0, %arg0 : i32
    %mul3A_1 = arith.constant 1024 : i32
    %mul3A_2 = arith.muli %add3A, %mul3A_1 : i32
    %mul3A_3 = arith.constant 20 : i32
    %mul3A_4 = arith.muli %mul3A_2, %mul3A_3 : i32
    %scan3A = arith.constant 0 : i32
    %scan3A_5 = arith.constant 0 : i32
    %scan3A_6 = arith.constant 16 : i32
    %scan3A_7 = arith.addi %scan3A_5, %scan3A_6 : i32
    %scan3A_8 = arith.constant 1 : i32
    %scan3A_9 = scf.for %scan3A_11 = %scan3A_5 to %scan3A_7 step %scan3A_8 iter_args(%scan3A_12 = %scan3A) -> (i32)  : i32 {
      %mul3A_13 = arith.constant 1280 : i32
      %mul3A_14 = arith.muli %scan3A_11, %mul3A_13 : i32
      %add3A_15 = arith.addi %mul3A_4, %mul3A_14 : i32
      "tpu.region"() ({
        %run_scoped3A = tpu.sem_alloc : memref<!tpu.dma_semaphore, #tpu.memory_space<semaphore_mem>>
        %dma_start3A_175 = tpu.memref_slice %arg3[%add3A_15] : memref<655360xi32, #tpu.memory_space<hbm>> -> memref<1280xi32, #tpu.memory_space<hbm>>
        %dma_start3A_176 = tpu.memref_slice %arg3[%add3A_15] : memref<655360xi32, #tpu.memory_space<hbm>> -> memref<1280xi32, #tpu.memory_space<hbm>>
        tpu.enqueue_dma source(%dma_start3A_176 : memref<1280xi32, #tpu.memory_space<hbm>>) target(%arg5 : memref<1280xi32, #tpu.memory_space<vmem>>) target_semaphore(%run_scoped3A : memref<!tpu.dma_semaphore, #tpu.memory_space<semaphore_mem>>)
        %dma_wait3A_177 = tpu.memref_slice %arg3[%add3A_15] : memref<655360xi32, #tpu.memory_space<hbm>> -> memref<1280xi32, #tpu.memory_space<hbm>>
        %dma_wait3A_178 = tpu.memref_slice %arg3[%add3A_15] : memref<655360xi32, #tpu.memory_space<hbm>> -> memref<1280xi32, #tpu.memory_space<hbm>>
        tpu.wait_dma2 semaphore(%run_scoped3A : memref<!tpu.dma_semaphore, #tpu.memory_space<semaphore_mem>>) src(%dma_wait3A_178 : memref<1280xi32, #tpu.memory_space<hbm>>) dst(%arg5 : memref<1280xi32, #tpu.memory_space<vmem>>)
        tpu.yield
      }) : () -> ()
      %dma_start3A = arith.constant 0 : i32
      %dma_start3A_16 = arith.constant 0 : i32
      %dma_start3A_17 = tpu.memref_slice %arg6[%dma_start3A, %dma_start3A_16] : memref<1280x64xf32, #tpu.memory_space<vmem>> -> memref<128x64xf32, #tpu.memory_space<vmem>>
      %dma_start3A_18 = arith.constant 0 : i32
      %dma_start3A_19 = tpu.memref_slice %arg5[%dma_start3A_18] : memref<1280xi32, #tpu.memory_space<vmem>> -> memref<128xi32, #tpu.memory_space<vmem>>
      %dma_start3A_20 = arith.constant 0 : i32
      %dma_start3A_21 = arith.constant 0 : i32
      %dma_start3A_22 = tpu.memref_slice %arg2[%dma_start3A_20, %dma_start3A_21] : memref<32768x64xf32, #tpu.memory_space<hbm>> -> memref<32768x64xf32, #tpu.memory_space<hbm>>
      tpu.enqueue_indirect_dma source(%dma_start3A_22 : memref<32768x64xf32, #tpu.memory_space<hbm>>) target(%dma_start3A_17 : memref<128x64xf32, #tpu.memory_space<vmem>>) offsets(%dma_start3A_19 : memref<128xi32, #tpu.memory_space<vmem>>) semaphore(%arg7 : memref<!tpu.dma_semaphore, #tpu.memory_space<semaphore_mem>>)
      %dma_start3A_23 = arith.constant 128 : i32
      %dma_start3A_24 = arith.constant 0 : i32
      %dma_start3A_25 = tpu.memref_slice %arg6[%dma_start3A_23, %dma_start3A_24] : memref<1280x64xf32, #tpu.memory_space<vmem>> -> memref<128x64xf32, #tpu.memory_space<vmem>>
      %dma_start3A_26 = arith.constant 128 : i32
      %dma_start3A_27 = tpu.memref_slice %arg5[%dma_start3A_26] : memref<1280xi32, #tpu.memory_space<vmem>> -> memref<128xi32, #tpu.memory_space<vmem>>
      %dma_start3A_28 = arith.constant 0 : i32
      %dma_start3A_29 = arith.constant 0 : i32
      %dma_start3A_30 = tpu.memref_slice %arg2[%dma_start3A_28, %dma_start3A_29] : memref<32768x64xf32, #tpu.memory_space<hbm>> -> memref<32768x64xf32, #tpu.memory_space<hbm>>
      tpu.enqueue_indirect_dma source(%dma_start3A_30 : memref<32768x64xf32, #tpu.memory_space<hbm>>) target(%dma_start3A_25 : memref<128x64xf32, #tpu.memory_space<vmem>>) offsets(%dma_start3A_27 : memref<128xi32, #tpu.memory_space<vmem>>) semaphore(%arg7 : memref<!tpu.dma_semaphore, #tpu.memory_space<semaphore_mem>>)
      %dma_start3A_31 = arith.constant 256 : i32
      %dma_start3A_32 = arith.constant 0 : i32
      %dma_start3A_33 = tpu.memref_slice %arg6[%dma_start3A_31, %dma_start3A_32] : memref<1280x64xf32, #tpu.memory_space<vmem>> -> memref<128x64xf32, #tpu.memory_space<vmem>>
      %dma_start3A_34 = arith.constant 256 : i32
      %dma_start3A_35 = tpu.memref_slice %arg5[%dma_start3A_34] : memref<1280xi32, #tpu.memory_space<vmem>> -> memref<128xi32, #tpu.memory_space<vmem>>
      %dma_start3A_36 = arith.constant 0 : i32
      %dma_start3A_37 = arith.constant 0 : i32
      %dma_start3A_38 = tpu.memref_slice %arg2[%dma_start3A_36, %dma_start3A_37] : memref<32768x64xf32, #tpu.memory_space<hbm>> -> memref<32768x64xf32, #tpu.memory_space<hbm>>
      tpu.enqueue_indirect_dma source(%dma_start3A_38 : memref<32768x64xf32, #tpu.memory_space<hbm>>) target(%dma_start3A_33 : memref<128x64xf32, #tpu.memory_space<vmem>>) offsets(%dma_start3A_35 : memref<128xi32, #tpu.memory_space<vmem>>) semaphore(%arg7 : memref<!tpu.dma_semaphore, #tpu.memory_space<semaphore_mem>>)
      %dma_start3A_39 = arith.constant 384 : i32
      %dma_start3A_40 = arith.constant 0 : i32
      %dma_start3A_41 = tpu.memref_slice %arg6[%dma_start3A_39, %dma_start3A_40] : memref<1280x64xf32, #tpu.memory_space<vmem>> -> memref<128x64xf32, #tpu.memory_space<vmem>>
      %dma_start3A_42 = arith.constant 384 : i32
      %dma_start3A_43 = tpu.memref_slice %arg5[%dma_start3A_42] : memref<1280xi32, #tpu.memory_space<vmem>> -> memref<128xi32, #tpu.memory_space<vmem>>
      %dma_start3A_44 = arith.constant 0 : i32
      %dma_start3A_45 = arith.constant 0 : i32
      %dma_start3A_46 = tpu.memref_slice %arg2[%dma_start3A_44, %dma_start3A_45] : memref<32768x64xf32, #tpu.memory_space<hbm>> -> memref<32768x64xf32, #tpu.memory_space<hbm>>
      tpu.enqueue_indirect_dma source(%dma_start3A_46 : memref<32768x64xf32, #tpu.memory_space<hbm>>) target(%dma_start3A_41 : memref<128x64xf32, #tpu.memory_space<vmem>>) offsets(%dma_start3A_43 : memref<128xi32, #tpu.memory_space<vmem>>) semaphore(%arg7 : memref<!tpu.dma_semaphore, #tpu.memory_space<semaphore_mem>>)
      %dma_start3A_47 = arith.constant 512 : i32
      %dma_start3A_48 = arith.constant 0 : i32
      %dma_start3A_49 = tpu.memref_slice %arg6[%dma_start3A_47, %dma_start3A_48] : memref<1280x64xf32, #tpu.memory_space<vmem>> -> memref<128x64xf32, #tpu.memory_space<vmem>>
      %dma_start3A_50 = arith.constant 512 : i32
      %dma_start3A_51 = tpu.memref_slice %arg5[%dma_start3A_50] : memref<1280xi32, #tpu.memory_space<vmem>> -> memref<128xi32, #tpu.memory_space<vmem>>
      %dma_start3A_52 = arith.constant 0 : i32
      %dma_start3A_53 = arith.constant 0 : i32
      %dma_start3A_54 = tpu.memref_slice %arg2[%dma_start3A_52, %dma_start3A_53] : memref<32768x64xf32, #tpu.memory_space<hbm>> -> memref<32768x64xf32, #tpu.memory_space<hbm>>
      tpu.enqueue_indirect_dma source(%dma_start3A_54 : memref<32768x64xf32, #tpu.memory_space<hbm>>) target(%dma_start3A_49 : memref<128x64xf32, #tpu.memory_space<vmem>>) offsets(%dma_start3A_51 : memref<128xi32, #tpu.memory_space<vmem>>) semaphore(%arg7 : memref<!tpu.dma_semaphore, #tpu.memory_space<semaphore_mem>>)
      %dma_start3A_55 = arith.constant 640 : i32
      %dma_start3A_56 = arith.constant 0 : i32
      %dma_start3A_57 = tpu.memref_slice %arg6[%dma_start3A_55, %dma_start3A_56] : memref<1280x64xf32, #tpu.memory_space<vmem>> -> memref<128x64xf32, #tpu.memory_space<vmem>>
      %dma_start3A_58 = arith.constant 640 : i32
      %dma_start3A_59 = tpu.memref_slice %arg5[%dma_start3A_58] : memref<1280xi32, #tpu.memory_space<vmem>> -> memref<128xi32, #tpu.memory_space<vmem>>
      %dma_start3A_60 = arith.constant 0 : i32
      %dma_start3A_61 = arith.constant 0 : i32
      %dma_start3A_62 = tpu.memref_slice %arg2[%dma_start3A_60, %dma_start3A_61] : memref<32768x64xf32, #tpu.memory_space<hbm>> -> memref<32768x64xf32, #tpu.memory_space<hbm>>
      tpu.enqueue_indirect_dma source(%dma_start3A_62 : memref<32768x64xf32, #tpu.memory_space<hbm>>) target(%dma_start3A_57 : memref<128x64xf32, #tpu.memory_space<vmem>>) offsets(%dma_start3A_59 : memref<128xi32, #tpu.memory_space<vmem>>) semaphore(%arg7 : memref<!tpu.dma_semaphore, #tpu.memory_space<semaphore_mem>>)
      %dma_start3A_63 = arith.constant 768 : i32
      %dma_start3A_64 = arith.constant 0 : i32
      %dma_start3A_65 = tpu.memref_slice %arg6[%dma_start3A_63, %dma_start3A_64] : memref<1280x64xf32, #tpu.memory_space<vmem>> -> memref<128x64xf32, #tpu.memory_space<vmem>>
      %dma_start3A_66 = arith.constant 768 : i32
      %dma_start3A_67 = tpu.memref_slice %arg5[%dma_start3A_66] : memref<1280xi32, #tpu.memory_space<vmem>> -> memref<128xi32, #tpu.memory_space<vmem>>
      %dma_start3A_68 = arith.constant 0 : i32
      %dma_start3A_69 = arith.constant 0 : i32
      %dma_start3A_70 = tpu.memref_slice %arg2[%dma_start3A_68, %dma_start3A_69] : memref<32768x64xf32, #tpu.memory_space<hbm>> -> memref<32768x64xf32, #tpu.memory_space<hbm>>
      tpu.enqueue_indirect_dma source(%dma_start3A_70 : memref<32768x64xf32, #tpu.memory_space<hbm>>) target(%dma_start3A_65 : memref<128x64xf32, #tpu.memory_space<vmem>>) offsets(%dma_start3A_67 : memref<128xi32, #tpu.memory_space<vmem>>) semaphore(%arg7 : memref<!tpu.dma_semaphore, #tpu.memory_space<semaphore_mem>>)
      %dma_start3A_71 = arith.constant 896 : i32
      %dma_start3A_72 = arith.constant 0 : i32
      %dma_start3A_73 = tpu.memref_slice %arg6[%dma_start3A_71, %dma_start3A_72] : memref<1280x64xf32, #tpu.memory_space<vmem>> -> memref<128x64xf32, #tpu.memory_space<vmem>>
      %dma_start3A_74 = arith.constant 896 : i32
      %dma_start3A_75 = tpu.memref_slice %arg5[%dma_start3A_74] : memref<1280xi32, #tpu.memory_space<vmem>> -> memref<128xi32, #tpu.memory_space<vmem>>
      %dma_start3A_76 = arith.constant 0 : i32
      %dma_start3A_77 = arith.constant 0 : i32
      %dma_start3A_78 = tpu.memref_slice %arg2[%dma_start3A_76, %dma_start3A_77] : memref<32768x64xf32, #tpu.memory_space<hbm>> -> memref<32768x64xf32, #tpu.memory_space<hbm>>
      tpu.enqueue_indirect_dma source(%dma_start3A_78 : memref<32768x64xf32, #tpu.memory_space<hbm>>) target(%dma_start3A_73 : memref<128x64xf32, #tpu.memory_space<vmem>>) offsets(%dma_start3A_75 : memref<128xi32, #tpu.memory_space<vmem>>) semaphore(%arg7 : memref<!tpu.dma_semaphore, #tpu.memory_space<semaphore_mem>>)
      %dma_start3A_79 = arith.constant 1024 : i32
      %dma_start3A_80 = arith.constant 0 : i32
      %dma_start3A_81 = tpu.memref_slice %arg6[%dma_start3A_79, %dma_start3A_80] : memref<1280x64xf32, #tpu.memory_space<vmem>> -> memref<128x64xf32, #tpu.memory_space<vmem>>
      %dma_start3A_82 = arith.constant 1024 : i32
      %dma_start3A_83 = tpu.memref_slice %arg5[%dma_start3A_82] : memref<1280xi32, #tpu.memory_space<vmem>> -> memref<128xi32, #tpu.memory_space<vmem>>
      %dma_start3A_84 = arith.constant 0 : i32
      %dma_start3A_85 = arith.constant 0 : i32
      %dma_start3A_86 = tpu.memref_slice %arg2[%dma_start3A_84, %dma_start3A_85] : memref<32768x64xf32, #tpu.memory_space<hbm>> -> memref<32768x64xf32, #tpu.memory_space<hbm>>
      tpu.enqueue_indirect_dma source(%dma_start3A_86 : memref<32768x64xf32, #tpu.memory_space<hbm>>) target(%dma_start3A_81 : memref<128x64xf32, #tpu.memory_space<vmem>>) offsets(%dma_start3A_83 : memref<128xi32, #tpu.memory_space<vmem>>) semaphore(%arg7 : memref<!tpu.dma_semaphore, #tpu.memory_space<semaphore_mem>>)
      %dma_start3A_87 = arith.constant 1152 : i32
      %dma_start3A_88 = arith.constant 0 : i32
      %dma_start3A_89 = tpu.memref_slice %arg6[%dma_start3A_87, %dma_start3A_88] : memref<1280x64xf32, #tpu.memory_space<vmem>> -> memref<128x64xf32, #tpu.memory_space<vmem>>
      %dma_start3A_90 = arith.constant 1152 : i32
      %dma_start3A_91 = tpu.memref_slice %arg5[%dma_start3A_90] : memref<1280xi32, #tpu.memory_space<vmem>> -> memref<128xi32, #tpu.memory_space<vmem>>
      %dma_start3A_92 = arith.constant 0 : i32
      %dma_start3A_93 = arith.constant 0 : i32
      %dma_start3A_94 = tpu.memref_slice %arg2[%dma_start3A_92, %dma_start3A_93] : memref<32768x64xf32, #tpu.memory_space<hbm>> -> memref<32768x64xf32, #tpu.memory_space<hbm>>
      tpu.enqueue_indirect_dma source(%dma_start3A_94 : memref<32768x64xf32, #tpu.memory_space<hbm>>) target(%dma_start3A_89 : memref<128x64xf32, #tpu.memory_space<vmem>>) offsets(%dma_start3A_91 : memref<128xi32, #tpu.memory_space<vmem>>) semaphore(%arg7 : memref<!tpu.dma_semaphore, #tpu.memory_space<semaphore_mem>>)
      %dma_wait3A = arith.constant 0 : i32
      %dma_wait3A_95 = arith.constant 0 : i32
      %dma_wait3A_96 = tpu.memref_slice %arg6[%dma_wait3A, %dma_wait3A_95] : memref<1280x64xf32, #tpu.memory_space<vmem>> -> memref<128x64xf32, #tpu.memory_space<vmem>>
      %dma_wait3A_97 = arith.constant 0 : i32
      %dma_wait3A_98 = tpu.memref_slice %arg5[%dma_wait3A_97] : memref<1280xi32, #tpu.memory_space<vmem>> -> memref<128xi32, #tpu.memory_space<vmem>>
      %dma_wait3A_99 = arith.constant 0 : i32
      %dma_wait3A_100 = arith.constant 0 : i32
      %dma_wait3A_101 = tpu.memref_slice %arg2[%dma_wait3A_99, %dma_wait3A_100] : memref<32768x64xf32, #tpu.memory_space<hbm>> -> memref<32768x64xf32, #tpu.memory_space<hbm>>
      tpu.wait_indirect_dma semaphore(%arg7 : memref<!tpu.dma_semaphore, #tpu.memory_space<semaphore_mem>>) src(%dma_wait3A_101 : memref<32768x64xf32, #tpu.memory_space<hbm>>) dst(%dma_wait3A_96 : memref<128x64xf32, #tpu.memory_space<vmem>>)
      %dma_wait3A_102 = arith.constant 128 : i32
      %dma_wait3A_103 = arith.constant 0 : i32
      %dma_wait3A_104 = tpu.memref_slice %arg6[%dma_wait3A_102, %dma_wait3A_103] : memref<1280x64xf32, #tpu.memory_space<vmem>> -> memref<128x64xf32, #tpu.memory_space<vmem>>
      %dma_wait3A_105 = arith.constant 128 : i32
      %dma_wait3A_106 = tpu.memref_slice %arg5[%dma_wait3A_105] : memref<1280xi32, #tpu.memory_space<vmem>> -> memref<128xi32, #tpu.memory_space<vmem>>
      %dma_wait3A_107 = arith.constant 0 : i32
      %dma_wait3A_108 = arith.constant 0 : i32
      %dma_wait3A_109 = tpu.memref_slice %arg2[%dma_wait3A_107, %dma_wait3A_108] : memref<32768x64xf32, #tpu.memory_space<hbm>> -> memref<32768x64xf32, #tpu.memory_space<hbm>>
      tpu.wait_indirect_dma semaphore(%arg7 : memref<!tpu.dma_semaphore, #tpu.memory_space<semaphore_mem>>) src(%dma_wait3A_109 : memref<32768x64xf32, #tpu.memory_space<hbm>>) dst(%dma_wait3A_104 : memref<128x64xf32, #tpu.memory_space<vmem>>)
      %dma_wait3A_110 = arith.constant 256 : i32
      %dma_wait3A_111 = arith.constant 0 : i32
      %dma_wait3A_112 = tpu.memref_slice %arg6[%dma_wait3A_110, %dma_wait3A_111] : memref<1280x64xf32, #tpu.memory_space<vmem>> -> memref<128x64xf32, #tpu.memory_space<vmem>>
      %dma_wait3A_113 = arith.constant 256 : i32
      %dma_wait3A_114 = tpu.memref_slice %arg5[%dma_wait3A_113] : memref<1280xi32, #tpu.memory_space<vmem>> -> memref<128xi32, #tpu.memory_space<vmem>>
      %dma_wait3A_115 = arith.constant 0 : i32
      %dma_wait3A_116 = arith.constant 0 : i32
      %dma_wait3A_117 = tpu.memref_slice %arg2[%dma_wait3A_115, %dma_wait3A_116] : memref<32768x64xf32, #tpu.memory_space<hbm>> -> memref<32768x64xf32, #tpu.memory_space<hbm>>
      tpu.wait_indirect_dma semaphore(%arg7 : memref<!tpu.dma_semaphore, #tpu.memory_space<semaphore_mem>>) src(%dma_wait3A_117 : memref<32768x64xf32, #tpu.memory_space<hbm>>) dst(%dma_wait3A_112 : memref<128x64xf32, #tpu.memory_space<vmem>>)
      %dma_wait3A_118 = arith.constant 384 : i32
      %dma_wait3A_119 = arith.constant 0 : i32
      %dma_wait3A_120 = tpu.memref_slice %arg6[%dma_wait3A_118, %dma_wait3A_119] : memref<1280x64xf32, #tpu.memory_space<vmem>> -> memref<128x64xf32, #tpu.memory_space<vmem>>
      %dma_wait3A_121 = arith.constant 384 : i32
      %dma_wait3A_122 = tpu.memref_slice %arg5[%dma_wait3A_121] : memref<1280xi32, #tpu.memory_space<vmem>> -> memref<128xi32, #tpu.memory_space<vmem>>
      %dma_wait3A_123 = arith.constant 0 : i32
      %dma_wait3A_124 = arith.constant 0 : i32
      %dma_wait3A_125 = tpu.memref_slice %arg2[%dma_wait3A_123, %dma_wait3A_124] : memref<32768x64xf32, #tpu.memory_space<hbm>> -> memref<32768x64xf32, #tpu.memory_space<hbm>>
      tpu.wait_indirect_dma semaphore(%arg7 : memref<!tpu.dma_semaphore, #tpu.memory_space<semaphore_mem>>) src(%dma_wait3A_125 : memref<32768x64xf32, #tpu.memory_space<hbm>>) dst(%dma_wait3A_120 : memref<128x64xf32, #tpu.memory_space<vmem>>)
      %dma_wait3A_126 = arith.constant 512 : i32
      %dma_wait3A_127 = arith.constant 0 : i32
      %dma_wait3A_128 = tpu.memref_slice %arg6[%dma_wait3A_126, %dma_wait3A_127] : memref<1280x64xf32, #tpu.memory_space<vmem>> -> memref<128x64xf32, #tpu.memory_space<vmem>>
      %dma_wait3A_129 = arith.constant 512 : i32
      %dma_wait3A_130 = tpu.memref_slice %arg5[%dma_wait3A_129] : memref<1280xi32, #tpu.memory_space<vmem>> -> memref<128xi32, #tpu.memory_space<vmem>>
      %dma_wait3A_131 = arith.constant 0 : i32
      %dma_wait3A_132 = arith.constant 0 : i32
      %dma_wait3A_133 = tpu.memref_slice %arg2[%dma_wait3A_131, %dma_wait3A_132] : memref<32768x64xf32, #tpu.memory_space<hbm>> -> memref<32768x64xf32, #tpu.memory_space<hbm>>
      tpu.wait_indirect_dma semaphore(%arg7 : memref<!tpu.dma_semaphore, #tpu.memory_space<semaphore_mem>>) src(%dma_wait3A_133 : memref<32768x64xf32, #tpu.memory_space<hbm>>) dst(%dma_wait3A_128 : memref<128x64xf32, #tpu.memory_space<vmem>>)
      %dma_wait3A_134 = arith.constant 640 : i32
      %dma_wait3A_135 = arith.constant 0 : i32
      %dma_wait3A_136 = tpu.memref_slice %arg6[%dma_wait3A_134, %dma_wait3A_135] : memref<1280x64xf32, #tpu.memory_space<vmem>> -> memref<128x64xf32, #tpu.memory_space<vmem>>
      %dma_wait3A_137 = arith.constant 640 : i32
      %dma_wait3A_138 = tpu.memref_slice %arg5[%dma_wait3A_137] : memref<1280xi32, #tpu.memory_space<vmem>> -> memref<128xi32, #tpu.memory_space<vmem>>
      %dma_wait3A_139 = arith.constant 0 : i32
      %dma_wait3A_140 = arith.constant 0 : i32
      %dma_wait3A_141 = tpu.memref_slice %arg2[%dma_wait3A_139, %dma_wait3A_140] : memref<32768x64xf32, #tpu.memory_space<hbm>> -> memref<32768x64xf32, #tpu.memory_space<hbm>>
      tpu.wait_indirect_dma semaphore(%arg7 : memref<!tpu.dma_semaphore, #tpu.memory_space<semaphore_mem>>) src(%dma_wait3A_141 : memref<32768x64xf32, #tpu.memory_space<hbm>>) dst(%dma_wait3A_136 : memref<128x64xf32, #tpu.memory_space<vmem>>)
      %dma_wait3A_142 = arith.constant 768 : i32
      %dma_wait3A_143 = arith.constant 0 : i32
      %dma_wait3A_144 = tpu.memref_slice %arg6[%dma_wait3A_142, %dma_wait3A_143] : memref<1280x64xf32, #tpu.memory_space<vmem>> -> memref<128x64xf32, #tpu.memory_space<vmem>>
      %dma_wait3A_145 = arith.constant 768 : i32
      %dma_wait3A_146 = tpu.memref_slice %arg5[%dma_wait3A_145] : memref<1280xi32, #tpu.memory_space<vmem>> -> memref<128xi32, #tpu.memory_space<vmem>>
      %dma_wait3A_147 = arith.constant 0 : i32
      %dma_wait3A_148 = arith.constant 0 : i32
      %dma_wait3A_149 = tpu.memref_slice %arg2[%dma_wait3A_147, %dma_wait3A_148] : memref<32768x64xf32, #tpu.memory_space<hbm>> -> memref<32768x64xf32, #tpu.memory_space<hbm>>
      tpu.wait_indirect_dma semaphore(%arg7 : memref<!tpu.dma_semaphore, #tpu.memory_space<semaphore_mem>>) src(%dma_wait3A_149 : memref<32768x64xf32, #tpu.memory_space<hbm>>) dst(%dma_wait3A_144 : memref<128x64xf32, #tpu.memory_space<vmem>>)
      %dma_wait3A_150 = arith.constant 896 : i32
      %dma_wait3A_151 = arith.constant 0 : i32
      %dma_wait3A_152 = tpu.memref_slice %arg6[%dma_wait3A_150, %dma_wait3A_151] : memref<1280x64xf32, #tpu.memory_space<vmem>> -> memref<128x64xf32, #tpu.memory_space<vmem>>
      %dma_wait3A_153 = arith.constant 896 : i32
      %dma_wait3A_154 = tpu.memref_slice %arg5[%dma_wait3A_153] : memref<1280xi32, #tpu.memory_space<vmem>> -> memref<128xi32, #tpu.memory_space<vmem>>
      %dma_wait3A_155 = arith.constant 0 : i32
      %dma_wait3A_156 = arith.constant 0 : i32
      %dma_wait3A_157 = tpu.memref_slice %arg2[%dma_wait3A_155, %dma_wait3A_156] : memref<32768x64xf32, #tpu.memory_space<hbm>> -> memref<32768x64xf32, #tpu.memory_space<hbm>>
      tpu.wait_indirect_dma semaphore(%arg7 : memref<!tpu.dma_semaphore, #tpu.memory_space<semaphore_mem>>) src(%dma_wait3A_157 : memref<32768x64xf32, #tpu.memory_space<hbm>>) dst(%dma_wait3A_152 : memref<128x64xf32, #tpu.memory_space<vmem>>)
      %dma_wait3A_158 = arith.constant 1024 : i32
      %dma_wait3A_159 = arith.constant 0 : i32
      %dma_wait3A_160 = tpu.memref_slice %arg6[%dma_wait3A_158, %dma_wait3A_159] : memref<1280x64xf32, #tpu.memory_space<vmem>> -> memref<128x64xf32, #tpu.memory_space<vmem>>
      %dma_wait3A_161 = arith.constant 1024 : i32
      %dma_wait3A_162 = tpu.memref_slice %arg5[%dma_wait3A_161] : memref<1280xi32, #tpu.memory_space<vmem>> -> memref<128xi32, #tpu.memory_space<vmem>>
      %dma_wait3A_163 = arith.constant 0 : i32
      %dma_wait3A_164 = arith.constant 0 : i32
      %dma_wait3A_165 = tpu.memref_slice %arg2[%dma_wait3A_163, %dma_wait3A_164] : memref<32768x64xf32, #tpu.memory_space<hbm>> -> memref<32768x64xf32, #tpu.memory_space<hbm>>
      tpu.wait_indirect_dma semaphore(%arg7 : memref<!tpu.dma_semaphore, #tpu.memory_space<semaphore_mem>>) src(%dma_wait3A_165 : memref<32768x64xf32, #tpu.memory_space<hbm>>) dst(%dma_wait3A_160 : memref<128x64xf32, #tpu.memory_space<vmem>>)
      %dma_wait3A_166 = arith.constant 1152 : i32
      %dma_wait3A_167 = arith.constant 0 : i32
      %dma_wait3A_168 = tpu.memref_slice %arg6[%dma_wait3A_166, %dma_wait3A_167] : memref<1280x64xf32, #tpu.memory_space<vmem>> -> memref<128x64xf32, #tpu.memory_space<vmem>>
      %dma_wait3A_169 = arith.constant 1152 : i32
      %dma_wait3A_170 = tpu.memref_slice %arg5[%dma_wait3A_169] : memref<1280xi32, #tpu.memory_space<vmem>> -> memref<128xi32, #tpu.memory_space<vmem>>
      %dma_wait3A_171 = arith.constant 0 : i32
      %dma_wait3A_172 = arith.constant 0 : i32
      %dma_wait3A_173 = tpu.memref_slice %arg2[%dma_wait3A_171, %dma_wait3A_172] : memref<32768x64xf32, #tpu.memory_space<hbm>> -> memref<32768x64xf32, #tpu.memory_space<hbm>>
      tpu.wait_indirect_dma semaphore(%arg7 : memref<!tpu.dma_semaphore, #tpu.memory_space<semaphore_mem>>) src(%dma_wait3A_173 : memref<32768x64xf32, #tpu.memory_space<hbm>>) dst(%dma_wait3A_168 : memref<128x64xf32, #tpu.memory_space<vmem>>)
      "tpu.region"() ({
        %run_scoped3A = tpu.sem_alloc : memref<!tpu.dma_semaphore, #tpu.memory_space<semaphore_mem>>
        %dma_start3A_175 = arith.constant 0 : i32
        %dma_start3A_176 = tpu.memref_slice %arg4[%add3A_15, %dma_start3A_175] : memref<655360x64xf32, #tpu.memory_space<hbm>> -> memref<1280x64xf32, #tpu.memory_space<hbm>>
        %dma_start3A_177 = arith.constant 0 : i32
        %dma_start3A_178 = tpu.memref_slice %arg4[%add3A_15, %dma_start3A_177] : memref<655360x64xf32, #tpu.memory_space<hbm>> -> memref<1280x64xf32, #tpu.memory_space<hbm>>
        tpu.enqueue_dma source(%arg6 : memref<1280x64xf32, #tpu.memory_space<vmem>>) target(%dma_start3A_178 : memref<1280x64xf32, #tpu.memory_space<hbm>>) target_semaphore(%run_scoped3A : memref<!tpu.dma_semaphore, #tpu.memory_space<semaphore_mem>>)
        %dma_wait3A_179 = arith.constant 0 : i32
        %dma_wait3A_180 = tpu.memref_slice %arg4[%add3A_15, %dma_wait3A_179] : memref<655360x64xf32, #tpu.memory_space<hbm>> -> memref<1280x64xf32, #tpu.memory_space<hbm>>
        %dma_wait3A_181 = arith.constant 0 : i32
        %dma_wait3A_182 = tpu.memref_slice %arg4[%add3A_15, %dma_wait3A_181] : memref<655360x64xf32, #tpu.memory_space<hbm>> -> memref<1280x64xf32, #tpu.memory_space<hbm>>
        tpu.wait_dma2 semaphore(%run_scoped3A : memref<!tpu.dma_semaphore, #tpu.memory_space<semaphore_mem>>) src(%arg6 : memref<1280x64xf32, #tpu.memory_space<vmem>>) dst(%dma_wait3A_182 : memref<1280x64xf32, #tpu.memory_space<hbm>>)
        tpu.yield
      }) : () -> ()
      %scan3A_174 = arith.constant 0 : i32
      scf.yield %scan3A_174 : i32
    }
    %scan3A_10 = arith.constant 16 : i32
    return
  }
}

#map = affine_map<(d0, d1) -> (0, 0)>
#map1 = affine_map<(d0, d1) -> (0)>
module attributes {stable_mosaic.version = 14 : i64} {
  func.func @gk(%arg0: i32, %arg1: i32, %arg2: memref<32768x64xf32, #tpu.memory_space<hbm>>, %arg3: memref<655360xi32, #tpu.memory_space<hbm>>, %arg4: memref<655360x64xf32, #tpu.memory_space<hbm>>, %arg5: memref<1280xi32, #tpu.memory_space<vmem>>, %arg6: memref<1280x64xf32, #tpu.memory_space<vmem>>, %arg7: memref<!tpu.dma_semaphore, #tpu.memory_space<semaphore_mem>>) attributes {dimension_semantics = [#tpu.dimension_semantics<core_parallel>, #tpu.dimension_semantics<subcore_parallel>], iteration_bounds = array<i64: 2, 16>, scalar_prefetch = 0 : i64, scratch_operands = 3 : i64, tpu.core_type = #tpu.core_type<sc_vector_subcore>, window_params = [{transform_indices = #map}, {transform_indices = #map1}, {transform_indices = #map}]} {
    %mul3A = arith.constant 2 : i32
    %mul3A_0 = arith.muli %arg1, %mul3A : i32
    %add3A = arith.addi %mul3A_0, %arg0 : i32
    %mul3A_1 = arith.constant 1024 : i32
    %mul3A_2 = arith.muli %add3A, %mul3A_1 : i32
    %mul3A_3 = arith.constant 20 : i32
    %mul3A_4 = arith.muli %mul3A_2, %mul3A_3 : i32
    %scan3A = arith.constant 0 : i32
    %scan3A_5 = arith.constant 0 : i32
    %scan3A_6 = arith.constant 16 : i32
    %scan3A_7 = arith.addi %scan3A_5, %scan3A_6 : i32
    %scan3A_8 = arith.constant 1 : i32
    %scan3A_9 = scf.for %scan3A_11 = %scan3A_5 to %scan3A_7 step %scan3A_8 iter_args(%scan3A_12 = %scan3A) -> (i32)  : i32 {
      %mul3A_13 = arith.constant 1280 : i32
      %mul3A_14 = arith.muli %scan3A_11, %mul3A_13 : i32
      %add3A_15 = arith.addi %mul3A_4, %mul3A_14 : i32
      "tpu.region"() ({
        %run_scoped3A = tpu.sem_alloc : memref<!tpu.dma_semaphore, #tpu.memory_space<semaphore_mem>>
        %dma_start3A_175 = tpu.memref_slice %arg3[%add3A_15] : memref<655360xi32, #tpu.memory_space<hbm>> -> memref<1280xi32, #tpu.memory_space<hbm>>
        %dma_start3A_176 = tpu.memref_slice %arg3[%add3A_15] : memref<655360xi32, #tpu.memory_space<hbm>> -> memref<1280xi32, #tpu.memory_space<hbm>>
        tpu.enqueue_dma source(%dma_start3A_176 : memref<1280xi32, #tpu.memory_space<hbm>>) target(%arg5 : memref<1280xi32, #tpu.memory_space<vmem>>) target_semaphore(%run_scoped3A : memref<!tpu.dma_semaphore, #tpu.memory_space<semaphore_mem>>)
        %dma_wait3A_177 = tpu.memref_slice %arg3[%add3A_15] : memref<655360xi32, #tpu.memory_space<hbm>> -> memref<1280xi32, #tpu.memory_space<hbm>>
        %dma_wait3A_178 = tpu.memref_slice %arg3[%add3A_15] : memref<655360xi32, #tpu.memory_space<hbm>> -> memref<1280xi32, #tpu.memory_space<hbm>>
        tpu.wait_dma2 semaphore(%run_scoped3A : memref<!tpu.dma_semaphore, #tpu.memory_space<semaphore_mem>>) src(%dma_wait3A_178 : memref<1280xi32, #tpu.memory_space<hbm>>) dst(%arg5 : memref<1280xi32, #tpu.memory_space<vmem>>)
        tpu.yield
      }) : () -> ()
      %dma_start3A = arith.constant 0 : i32
      %dma_start3A_16 = arith.constant 0 : i32
      %dma_start3A_17 = tpu.memref_slice %arg6[%dma_start3A, %dma_start3A_16] : memref<1280x64xf32, #tpu.memory_space<vmem>> -> memref<128x64xf32, #tpu.memory_space<vmem>>
      %dma_start3A_18 = arith.constant 0 : i32
      %dma_start3A_19 = tpu.memref_slice %arg5[%dma_start3A_18] : memref<1280xi32, #tpu.memory_space<vmem>> -> memref<128xi32, #tpu.memory_space<vmem>>
      %dma_start3A_20 = arith.constant 0 : i32
      %dma_start3A_21 = arith.constant 0 : i32
      %dma_start3A_22 = tpu.memref_slice %arg2[%dma_start3A_20, %dma_start3A_21] : memref<32768x64xf32, #tpu.memory_space<hbm>> -> memref<32768x64xf32, #tpu.memory_space<hbm>>
      tpu.enqueue_indirect_dma source(%dma_start3A_22 : memref<32768x64xf32, #tpu.memory_space<hbm>>) target(%dma_start3A_17 : memref<128x64xf32, #tpu.memory_space<vmem>>) offsets(%dma_start3A_19 : memref<128xi32, #tpu.memory_space<vmem>>) semaphore(%arg7 : memref<!tpu.dma_semaphore, #tpu.memory_space<semaphore_mem>>)
      %dma_start3A_23 = arith.constant 128 : i32
      %dma_start3A_24 = arith.constant 0 : i32
      %dma_start3A_25 = tpu.memref_slice %arg6[%dma_start3A_23, %dma_start3A_24] : memref<1280x64xf32, #tpu.memory_space<vmem>> -> memref<128x64xf32, #tpu.memory_space<vmem>>
      %dma_start3A_26 = arith.constant 128 : i32
      %dma_start3A_27 = tpu.memref_slice %arg5[%dma_start3A_26] : memref<1280xi32, #tpu.memory_space<vmem>> -> memref<128xi32, #tpu.memory_space<vmem>>
      %dma_start3A_28 = arith.constant 0 : i32
      %dma_start3A_29 = arith.constant 0 : i32
      %dma_start3A_30 = tpu.memref_slice %arg2[%dma_start3A_28, %dma_start3A_29] : memref<32768x64xf32, #tpu.memory_space<hbm>> -> memref<32768x64xf32, #tpu.memory_space<hbm>>
      tpu.enqueue_indirect_dma source(%dma_start3A_30 : memref<32768x64xf32, #tpu.memory_space<hbm>>) target(%dma_start3A_25 : memref<128x64xf32, #tpu.memory_space<vmem>>) offsets(%dma_start3A_27 : memref<128xi32, #tpu.memory_space<vmem>>) semaphore(%arg7 : memref<!tpu.dma_semaphore, #tpu.memory_space<semaphore_mem>>)
      %dma_start3A_31 = arith.constant 256 : i32
      %dma_start3A_32 = arith.constant 0 : i32
      %dma_start3A_33 = tpu.memref_slice %arg6[%dma_start3A_31, %dma_start3A_32] : memref<1280x64xf32, #tpu.memory_space<vmem>> -> memref<128x64xf32, #tpu.memory_space<vmem>>
      %dma_start3A_34 = arith.constant 256 : i32
      %dma_start3A_35 = tpu.memref_slice %arg5[%dma_start3A_34] : memref<1280xi32, #tpu.memory_space<vmem>> -> memref<128xi32, #tpu.memory_space<vmem>>
      %dma_start3A_36 = arith.constant 0 : i32
      %dma_start3A_37 = arith.constant 0 : i32
      %dma_start3A_38 = tpu.memref_slice %arg2[%dma_start3A_36, %dma_start3A_37] : memref<32768x64xf32, #tpu.memory_space<hbm>> -> memref<32768x64xf32, #tpu.memory_space<hbm>>
      tpu.enqueue_indirect_dma source(%dma_start3A_38 : memref<32768x64xf32, #tpu.memory_space<hbm>>) target(%dma_start3A_33 : memref<128x64xf32, #tpu.memory_space<vmem>>) offsets(%dma_start3A_35 : memref<128xi32, #tpu.memory_space<vmem>>) semaphore(%arg7 : memref<!tpu.dma_semaphore, #tpu.memory_space<semaphore_mem>>)
      %dma_start3A_39 = arith.constant 384 : i32
      %dma_start3A_40 = arith.constant 0 : i32
      %dma_start3A_41 = tpu.memref_slice %arg6[%dma_start3A_39, %dma_start3A_40] : memref<1280x64xf32, #tpu.memory_space<vmem>> -> memref<128x64xf32, #tpu.memory_space<vmem>>
      %dma_start3A_42 = arith.constant 384 : i32
      %dma_start3A_43 = tpu.memref_slice %arg5[%dma_start3A_42] : memref<1280xi32, #tpu.memory_space<vmem>> -> memref<128xi32, #tpu.memory_space<vmem>>
      %dma_start3A_44 = arith.constant 0 : i32
      %dma_start3A_45 = arith.constant 0 : i32
      %dma_start3A_46 = tpu.memref_slice %arg2[%dma_start3A_44, %dma_start3A_45] : memref<32768x64xf32, #tpu.memory_space<hbm>> -> memref<32768x64xf32, #tpu.memory_space<hbm>>
      tpu.enqueue_indirect_dma source(%dma_start3A_46 : memref<32768x64xf32, #tpu.memory_space<hbm>>) target(%dma_start3A_41 : memref<128x64xf32, #tpu.memory_space<vmem>>) offsets(%dma_start3A_43 : memref<128xi32, #tpu.memory_space<vmem>>) semaphore(%arg7 : memref<!tpu.dma_semaphore, #tpu.memory_space<semaphore_mem>>)
      %dma_start3A_47 = arith.constant 512 : i32
      %dma_start3A_48 = arith.constant 0 : i32
      %dma_start3A_49 = tpu.memref_slice %arg6[%dma_start3A_47, %dma_start3A_48] : memref<1280x64xf32, #tpu.memory_space<vmem>> -> memref<128x64xf32, #tpu.memory_space<vmem>>
      %dma_start3A_50 = arith.constant 512 : i32
      %dma_start3A_51 = tpu.memref_slice %arg5[%dma_start3A_50] : memref<1280xi32, #tpu.memory_space<vmem>> -> memref<128xi32, #tpu.memory_space<vmem>>
      %dma_start3A_52 = arith.constant 0 : i32
      %dma_start3A_53 = arith.constant 0 : i32
      %dma_start3A_54 = tpu.memref_slice %arg2[%dma_start3A_52, %dma_start3A_53] : memref<32768x64xf32, #tpu.memory_space<hbm>> -> memref<32768x64xf32, #tpu.memory_space<hbm>>
      tpu.enqueue_indirect_dma source(%dma_start3A_54 : memref<32768x64xf32, #tpu.memory_space<hbm>>) target(%dma_start3A_49 : memref<128x64xf32, #tpu.memory_space<vmem>>) offsets(%dma_start3A_51 : memref<128xi32, #tpu.memory_space<vmem>>) semaphore(%arg7 : memref<!tpu.dma_semaphore, #tpu.memory_space<semaphore_mem>>)
      %dma_start3A_55 = arith.constant 640 : i32
      %dma_start3A_56 = arith.constant 0 : i32
      %dma_start3A_57 = tpu.memref_slice %arg6[%dma_start3A_55, %dma_start3A_56] : memref<1280x64xf32, #tpu.memory_space<vmem>> -> memref<128x64xf32, #tpu.memory_space<vmem>>
      %dma_start3A_58 = arith.constant 640 : i32
      %dma_start3A_59 = tpu.memref_slice %arg5[%dma_start3A_58] : memref<1280xi32, #tpu.memory_space<vmem>> -> memref<128xi32, #tpu.memory_space<vmem>>
      %dma_start3A_60 = arith.constant 0 : i32
      %dma_start3A_61 = arith.constant 0 : i32
      %dma_start3A_62 = tpu.memref_slice %arg2[%dma_start3A_60, %dma_start3A_61] : memref<32768x64xf32, #tpu.memory_space<hbm>> -> memref<32768x64xf32, #tpu.memory_space<hbm>>
      tpu.enqueue_indirect_dma source(%dma_start3A_62 : memref<32768x64xf32, #tpu.memory_space<hbm>>) target(%dma_start3A_57 : memref<128x64xf32, #tpu.memory_space<vmem>>) offsets(%dma_start3A_59 : memref<128xi32, #tpu.memory_space<vmem>>) semaphore(%arg7 : memref<!tpu.dma_semaphore, #tpu.memory_space<semaphore_mem>>)
      %dma_start3A_63 = arith.constant 768 : i32
      %dma_start3A_64 = arith.constant 0 : i32
      %dma_start3A_65 = tpu.memref_slice %arg6[%dma_start3A_63, %dma_start3A_64] : memref<1280x64xf32, #tpu.memory_space<vmem>> -> memref<128x64xf32, #tpu.memory_space<vmem>>
      %dma_start3A_66 = arith.constant 768 : i32
      %dma_start3A_67 = tpu.memref_slice %arg5[%dma_start3A_66] : memref<1280xi32, #tpu.memory_space<vmem>> -> memref<128xi32, #tpu.memory_space<vmem>>
      %dma_start3A_68 = arith.constant 0 : i32
      %dma_start3A_69 = arith.constant 0 : i32
      %dma_start3A_70 = tpu.memref_slice %arg2[%dma_start3A_68, %dma_start3A_69] : memref<32768x64xf32, #tpu.memory_space<hbm>> -> memref<32768x64xf32, #tpu.memory_space<hbm>>
      tpu.enqueue_indirect_dma source(%dma_start3A_70 : memref<32768x64xf32, #tpu.memory_space<hbm>>) target(%dma_start3A_65 : memref<128x64xf32, #tpu.memory_space<vmem>>) offsets(%dma_start3A_67 : memref<128xi32, #tpu.memory_space<vmem>>) semaphore(%arg7 : memref<!tpu.dma_semaphore, #tpu.memory_space<semaphore_mem>>)
      %dma_start3A_71 = arith.constant 896 : i32
      %dma_start3A_72 = arith.constant 0 : i32
      %dma_start3A_73 = tpu.memref_slice %arg6[%dma_start3A_71, %dma_start3A_72] : memref<1280x64xf32, #tpu.memory_space<vmem>> -> memref<128x64xf32, #tpu.memory_space<vmem>>
      %dma_start3A_74 = arith.constant 896 : i32
      %dma_start3A_75 = tpu.memref_slice %arg5[%dma_start3A_74] : memref<1280xi32, #tpu.memory_space<vmem>> -> memref<128xi32, #tpu.memory_space<vmem>>
      %dma_start3A_76 = arith.constant 0 : i32
      %dma_start3A_77 = arith.constant 0 : i32
      %dma_start3A_78 = tpu.memref_slice %arg2[%dma_start3A_76, %dma_start3A_77] : memref<32768x64xf32, #tpu.memory_space<hbm>> -> memref<32768x64xf32, #tpu.memory_space<hbm>>
      tpu.enqueue_indirect_dma source(%dma_start3A_78 : memref<32768x64xf32, #tpu.memory_space<hbm>>) target(%dma_start3A_73 : memref<128x64xf32, #tpu.memory_space<vmem>>) offsets(%dma_start3A_75 : memref<128xi32, #tpu.memory_space<vmem>>) semaphore(%arg7 : memref<!tpu.dma_semaphore, #tpu.memory_space<semaphore_mem>>)
      %dma_start3A_79 = arith.constant 1024 : i32
      %dma_start3A_80 = arith.constant 0 : i32
      %dma_start3A_81 = tpu.memref_slice %arg6[%dma_start3A_79, %dma_start3A_80] : memref<1280x64xf32, #tpu.memory_space<vmem>> -> memref<128x64xf32, #tpu.memory_space<vmem>>
      %dma_start3A_82 = arith.constant 1024 : i32
      %dma_start3A_83 = tpu.memref_slice %arg5[%dma_start3A_82] : memref<1280xi32, #tpu.memory_space<vmem>> -> memref<128xi32, #tpu.memory_space<vmem>>
      %dma_start3A_84 = arith.constant 0 : i32
      %dma_start3A_85 = arith.constant 0 : i32
      %dma_start3A_86 = tpu.memref_slice %arg2[%dma_start3A_84, %dma_start3A_85] : memref<32768x64xf32, #tpu.memory_space<hbm>> -> memref<32768x64xf32, #tpu.memory_space<hbm>>
      tpu.enqueue_indirect_dma source(%dma_start3A_86 : memref<32768x64xf32, #tpu.memory_space<hbm>>) target(%dma_start3A_81 : memref<128x64xf32, #tpu.memory_space<vmem>>) offsets(%dma_start3A_83 : memref<128xi32, #tpu.memory_space<vmem>>) semaphore(%arg7 : memref<!tpu.dma_semaphore, #tpu.memory_space<semaphore_mem>>)
      %dma_start3A_87 = arith.constant 1152 : i32
      %dma_start3A_88 = arith.constant 0 : i32
      %dma_start3A_89 = tpu.memref_slice %arg6[%dma_start3A_87, %dma_start3A_88] : memref<1280x64xf32, #tpu.memory_space<vmem>> -> memref<128x64xf32, #tpu.memory_space<vmem>>
      %dma_start3A_90 = arith.constant 1152 : i32
      %dma_start3A_91 = tpu.memref_slice %arg5[%dma_start3A_90] : memref<1280xi32, #tpu.memory_space<vmem>> -> memref<128xi32, #tpu.memory_space<vmem>>
      %dma_start3A_92 = arith.constant 0 : i32
      %dma_start3A_93 = arith.constant 0 : i32
      %dma_start3A_94 = tpu.memref_slice %arg2[%dma_start3A_92, %dma_start3A_93] : memref<32768x64xf32, #tpu.memory_space<hbm>> -> memref<32768x64xf32, #tpu.memory_space<hbm>>
      tpu.enqueue_indirect_dma source(%dma_start3A_94 : memref<32768x64xf32, #tpu.memory_space<hbm>>) target(%dma_start3A_89 : memref<128x64xf32, #tpu.memory_space<vmem>>) offsets(%dma_start3A_91 : memref<128xi32, #tpu.memory_space<vmem>>) semaphore(%arg7 : memref<!tpu.dma_semaphore, #tpu.memory_space<semaphore_mem>>)
      %dma_wait3A = arith.constant 0 : i32
      %dma_wait3A_95 = arith.constant 0 : i32
      %dma_wait3A_96 = tpu.memref_slice %arg6[%dma_wait3A, %dma_wait3A_95] : memref<1280x64xf32, #tpu.memory_space<vmem>> -> memref<128x64xf32, #tpu.memory_space<vmem>>
      %dma_wait3A_97 = arith.constant 0 : i32
      %dma_wait3A_98 = tpu.memref_slice %arg5[%dma_wait3A_97] : memref<1280xi32, #tpu.memory_space<vmem>> -> memref<128xi32, #tpu.memory_space<vmem>>
      %dma_wait3A_99 = arith.constant 0 : i32
      %dma_wait3A_100 = arith.constant 0 : i32
      %dma_wait3A_101 = tpu.memref_slice %arg2[%dma_wait3A_99, %dma_wait3A_100] : memref<32768x64xf32, #tpu.memory_space<hbm>> -> memref<32768x64xf32, #tpu.memory_space<hbm>>
      tpu.wait_indirect_dma semaphore(%arg7 : memref<!tpu.dma_semaphore, #tpu.memory_space<semaphore_mem>>) src(%dma_wait3A_101 : memref<32768x64xf32, #tpu.memory_space<hbm>>) dst(%dma_wait3A_96 : memref<128x64xf32, #tpu.memory_space<vmem>>)
      %dma_wait3A_102 = arith.constant 128 : i32
      %dma_wait3A_103 = arith.constant 0 : i32
      %dma_wait3A_104 = tpu.memref_slice %arg6[%dma_wait3A_102, %dma_wait3A_103] : memref<1280x64xf32, #tpu.memory_space<vmem>> -> memref<128x64xf32, #tpu.memory_space<vmem>>
      %dma_wait3A_105 = arith.constant 128 : i32
      %dma_wait3A_106 = tpu.memref_slice %arg5[%dma_wait3A_105] : memref<1280xi32, #tpu.memory_space<vmem>> -> memref<128xi32, #tpu.memory_space<vmem>>
      %dma_wait3A_107 = arith.constant 0 : i32
      %dma_wait3A_108 = arith.constant 0 : i32
      %dma_wait3A_109 = tpu.memref_slice %arg2[%dma_wait3A_107, %dma_wait3A_108] : memref<32768x64xf32, #tpu.memory_space<hbm>> -> memref<32768x64xf32, #tpu.memory_space<hbm>>
      tpu.wait_indirect_dma semaphore(%arg7 : memref<!tpu.dma_semaphore, #tpu.memory_space<semaphore_mem>>) src(%dma_wait3A_109 : memref<32768x64xf32, #tpu.memory_space<hbm>>) dst(%dma_wait3A_104 : memref<128x64xf32, #tpu.memory_space<vmem>>)
      %dma_wait3A_110 = arith.constant 256 : i32
      %dma_wait3A_111 = arith.constant 0 : i32
      %dma_wait3A_112 = tpu.memref_slice %arg6[%dma_wait3A_110, %dma_wait3A_111] : memref<1280x64xf32, #tpu.memory_space<vmem>> -> memref<128x64xf32, #tpu.memory_space<vmem>>
      %dma_wait3A_113 = arith.constant 256 : i32
      %dma_wait3A_114 = tpu.memref_slice %arg5[%dma_wait3A_113] : memref<1280xi32, #tpu.memory_space<vmem>> -> memref<128xi32, #tpu.memory_space<vmem>>
      %dma_wait3A_115 = arith.constant 0 : i32
      %dma_wait3A_116 = arith.constant 0 : i32
      %dma_wait3A_117 = tpu.memref_slice %arg2[%dma_wait3A_115, %dma_wait3A_116] : memref<32768x64xf32, #tpu.memory_space<hbm>> -> memref<32768x64xf32, #tpu.memory_space<hbm>>
      tpu.wait_indirect_dma semaphore(%arg7 : memref<!tpu.dma_semaphore, #tpu.memory_space<semaphore_mem>>) src(%dma_wait3A_117 : memref<32768x64xf32, #tpu.memory_space<hbm>>) dst(%dma_wait3A_112 : memref<128x64xf32, #tpu.memory_space<vmem>>)
      %dma_wait3A_118 = arith.constant 384 : i32
      %dma_wait3A_119 = arith.constant 0 : i32
      %dma_wait3A_120 = tpu.memref_slice %arg6[%dma_wait3A_118, %dma_wait3A_119] : memref<1280x64xf32, #tpu.memory_space<vmem>> -> memref<128x64xf32, #tpu.memory_space<vmem>>
      %dma_wait3A_121 = arith.constant 384 : i32
      %dma_wait3A_122 = tpu.memref_slice %arg5[%dma_wait3A_121] : memref<1280xi32, #tpu.memory_space<vmem>> -> memref<128xi32, #tpu.memory_space<vmem>>
      %dma_wait3A_123 = arith.constant 0 : i32
      %dma_wait3A_124 = arith.constant 0 : i32
      %dma_wait3A_125 = tpu.memref_slice %arg2[%dma_wait3A_123, %dma_wait3A_124] : memref<32768x64xf32, #tpu.memory_space<hbm>> -> memref<32768x64xf32, #tpu.memory_space<hbm>>
      tpu.wait_indirect_dma semaphore(%arg7 : memref<!tpu.dma_semaphore, #tpu.memory_space<semaphore_mem>>) src(%dma_wait3A_125 : memref<32768x64xf32, #tpu.memory_space<hbm>>) dst(%dma_wait3A_120 : memref<128x64xf32, #tpu.memory_space<vmem>>)
      %dma_wait3A_126 = arith.constant 512 : i32
      %dma_wait3A_127 = arith.constant 0 : i32
      %dma_wait3A_128 = tpu.memref_slice %arg6[%dma_wait3A_126, %dma_wait3A_127] : memref<1280x64xf32, #tpu.memory_space<vmem>> -> memref<128x64xf32, #tpu.memory_space<vmem>>
      %dma_wait3A_129 = arith.constant 512 : i32
      %dma_wait3A_130 = tpu.memref_slice %arg5[%dma_wait3A_129] : memref<1280xi32, #tpu.memory_space<vmem>> -> memref<128xi32, #tpu.memory_space<vmem>>
      %dma_wait3A_131 = arith.constant 0 : i32
      %dma_wait3A_132 = arith.constant 0 : i32
      %dma_wait3A_133 = tpu.memref_slice %arg2[%dma_wait3A_131, %dma_wait3A_132] : memref<32768x64xf32, #tpu.memory_space<hbm>> -> memref<32768x64xf32, #tpu.memory_space<hbm>>
      tpu.wait_indirect_dma semaphore(%arg7 : memref<!tpu.dma_semaphore, #tpu.memory_space<semaphore_mem>>) src(%dma_wait3A_133 : memref<32768x64xf32, #tpu.memory_space<hbm>>) dst(%dma_wait3A_128 : memref<128x64xf32, #tpu.memory_space<vmem>>)
      %dma_wait3A_134 = arith.constant 640 : i32
      %dma_wait3A_135 = arith.constant 0 : i32
      %dma_wait3A_136 = tpu.memref_slice %arg6[%dma_wait3A_134, %dma_wait3A_135] : memref<1280x64xf32, #tpu.memory_space<vmem>> -> memref<128x64xf32, #tpu.memory_space<vmem>>
      %dma_wait3A_137 = arith.constant 640 : i32
      %dma_wait3A_138 = tpu.memref_slice %arg5[%dma_wait3A_137] : memref<1280xi32, #tpu.memory_space<vmem>> -> memref<128xi32, #tpu.memory_space<vmem>>
      %dma_wait3A_139 = arith.constant 0 : i32
      %dma_wait3A_140 = arith.constant 0 : i32
      %dma_wait3A_141 = tpu.memref_slice %arg2[%dma_wait3A_139, %dma_wait3A_140] : memref<32768x64xf32, #tpu.memory_space<hbm>> -> memref<32768x64xf32, #tpu.memory_space<hbm>>
      tpu.wait_indirect_dma semaphore(%arg7 : memref<!tpu.dma_semaphore, #tpu.memory_space<semaphore_mem>>) src(%dma_wait3A_141 : memref<32768x64xf32, #tpu.memory_space<hbm>>) dst(%dma_wait3A_136 : memref<128x64xf32, #tpu.memory_space<vmem>>)
      %dma_wait3A_142 = arith.constant 768 : i32
      %dma_wait3A_143 = arith.constant 0 : i32
      %dma_wait3A_144 = tpu.memref_slice %arg6[%dma_wait3A_142, %dma_wait3A_143] : memref<1280x64xf32, #tpu.memory_space<vmem>> -> memref<128x64xf32, #tpu.memory_space<vmem>>
      %dma_wait3A_145 = arith.constant 768 : i32
      %dma_wait3A_146 = tpu.memref_slice %arg5[%dma_wait3A_145] : memref<1280xi32, #tpu.memory_space<vmem>> -> memref<128xi32, #tpu.memory_space<vmem>>
      %dma_wait3A_147 = arith.constant 0 : i32
      %dma_wait3A_148 = arith.constant 0 : i32
      %dma_wait3A_149 = tpu.memref_slice %arg2[%dma_wait3A_147, %dma_wait3A_148] : memref<32768x64xf32, #tpu.memory_space<hbm>> -> memref<32768x64xf32, #tpu.memory_space<hbm>>
      tpu.wait_indirect_dma semaphore(%arg7 : memref<!tpu.dma_semaphore, #tpu.memory_space<semaphore_mem>>) src(%dma_wait3A_149 : memref<32768x64xf32, #tpu.memory_space<hbm>>) dst(%dma_wait3A_144 : memref<128x64xf32, #tpu.memory_space<vmem>>)
      %dma_wait3A_150 = arith.constant 896 : i32
      %dma_wait3A_151 = arith.constant 0 : i32
      %dma_wait3A_152 = tpu.memref_slice %arg6[%dma_wait3A_150, %dma_wait3A_151] : memref<1280x64xf32, #tpu.memory_space<vmem>> -> memref<128x64xf32, #tpu.memory_space<vmem>>
      %dma_wait3A_153 = arith.constant 896 : i32
      %dma_wait3A_154 = tpu.memref_slice %arg5[%dma_wait3A_153] : memref<1280xi32, #tpu.memory_space<vmem>> -> memref<128xi32, #tpu.memory_space<vmem>>
      %dma_wait3A_155 = arith.constant 0 : i32
      %dma_wait3A_156 = arith.constant 0 : i32
      %dma_wait3A_157 = tpu.memref_slice %arg2[%dma_wait3A_155, %dma_wait3A_156] : memref<32768x64xf32, #tpu.memory_space<hbm>> -> memref<32768x64xf32, #tpu.memory_space<hbm>>
      tpu.wait_indirect_dma semaphore(%arg7 : memref<!tpu.dma_semaphore, #tpu.memory_space<semaphore_mem>>) src(%dma_wait3A_157 : memref<32768x64xf32, #tpu.memory_space<hbm>>) dst(%dma_wait3A_152 : memref<128x64xf32, #tpu.memory_space<vmem>>)
      %dma_wait3A_158 = arith.constant 1024 : i32
      %dma_wait3A_159 = arith.constant 0 : i32
      %dma_wait3A_160 = tpu.memref_slice %arg6[%dma_wait3A_158, %dma_wait3A_159] : memref<1280x64xf32, #tpu.memory_space<vmem>> -> memref<128x64xf32, #tpu.memory_space<vmem>>
      %dma_wait3A_161 = arith.constant 1024 : i32
      %dma_wait3A_162 = tpu.memref_slice %arg5[%dma_wait3A_161] : memref<1280xi32, #tpu.memory_space<vmem>> -> memref<128xi32, #tpu.memory_space<vmem>>
      %dma_wait3A_163 = arith.constant 0 : i32
      %dma_wait3A_164 = arith.constant 0 : i32
      %dma_wait3A_165 = tpu.memref_slice %arg2[%dma_wait3A_163, %dma_wait3A_164] : memref<32768x64xf32, #tpu.memory_space<hbm>> -> memref<32768x64xf32, #tpu.memory_space<hbm>>
      tpu.wait_indirect_dma semaphore(%arg7 : memref<!tpu.dma_semaphore, #tpu.memory_space<semaphore_mem>>) src(%dma_wait3A_165 : memref<32768x64xf32, #tpu.memory_space<hbm>>) dst(%dma_wait3A_160 : memref<128x64xf32, #tpu.memory_space<vmem>>)
      %dma_wait3A_166 = arith.constant 1152 : i32
      %dma_wait3A_167 = arith.constant 0 : i32
      %dma_wait3A_168 = tpu.memref_slice %arg6[%dma_wait3A_166, %dma_wait3A_167] : memref<1280x64xf32, #tpu.memory_space<vmem>> -> memref<128x64xf32, #tpu.memory_space<vmem>>
      %dma_wait3A_169 = arith.constant 1152 : i32
      %dma_wait3A_170 = tpu.memref_slice %arg5[%dma_wait3A_169] : memref<1280xi32, #tpu.memory_space<vmem>> -> memref<128xi32, #tpu.memory_space<vmem>>
      %dma_wait3A_171 = arith.constant 0 : i32
      %dma_wait3A_172 = arith.constant 0 : i32
      %dma_wait3A_173 = tpu.memref_slice %arg2[%dma_wait3A_171, %dma_wait3A_172] : memref<32768x64xf32, #tpu.memory_space<hbm>> -> memref<32768x64xf32, #tpu.memory_space<hbm>>
      tpu.wait_indirect_dma semaphore(%arg7 : memref<!tpu.dma_semaphore, #tpu.memory_space<semaphore_mem>>) src(%dma_wait3A_173 : memref<32768x64xf32, #tpu.memory_space<hbm>>) dst(%dma_wait3A_168 : memref<128x64xf32, #tpu.memory_space<vmem>>)
      "tpu.region"() ({
        %run_scoped3A = tpu.sem_alloc : memref<!tpu.dma_semaphore, #tpu.memory_space<semaphore_mem>>
        %dma_start3A_175 = arith.constant 0 : i32
        %dma_start3A_176 = tpu.memref_slice %arg4[%add3A_15, %dma_start3A_175] : memref<655360x64xf32, #tpu.memory_space<hbm>> -> memref<1280x64xf32, #tpu.memory_space<hbm>>
        %dma_start3A_177 = arith.constant 0 : i32
        %dma_start3A_178 = tpu.memref_slice %arg4[%add3A_15, %dma_start3A_177] : memref<655360x64xf32, #tpu.memory_space<hbm>> -> memref<1280x64xf32, #tpu.memory_space<hbm>>
        tpu.enqueue_dma source(%arg6 : memref<1280x64xf32, #tpu.memory_space<vmem>>) target(%dma_start3A_178 : memref<1280x64xf32, #tpu.memory_space<hbm>>) target_semaphore(%run_scoped3A : memref<!tpu.dma_semaphore, #tpu.memory_space<semaphore_mem>>)
        %dma_wait3A_179 = arith.constant 0 : i32
        %dma_wait3A_180 = tpu.memref_slice %arg4[%add3A_15, %dma_wait3A_179] : memref<655360x64xf32, #tpu.memory_space<hbm>> -> memref<1280x64xf32, #tpu.memory_space<hbm>>
        %dma_wait3A_181 = arith.constant 0 : i32
        %dma_wait3A_182 = tpu.memref_slice %arg4[%add3A_15, %dma_wait3A_181] : memref<655360x64xf32, #tpu.memory_space<hbm>> -> memref<1280x64xf32, #tpu.memory_space<hbm>>
        tpu.wait_dma2 semaphore(%run_scoped3A : memref<!tpu.dma_semaphore, #tpu.memory_space<semaphore_mem>>) src(%arg6 : memref<1280x64xf32, #tpu.memory_space<vmem>>) dst(%dma_wait3A_182 : memref<1280x64xf32, #tpu.memory_space<hbm>>)
        tpu.yield
      }) : () -> ()
      %scan3A_174 = arith.constant 0 : i32
      scf.yield %scan3A_174 : i32
    }
    %scan3A_10 = arith.constant 16 : i32
    return
  }
}

module attributes {stable_mosaic.version = 14 : i64} {
  func.func @_conv_body(%arg0: i32, %arg1: i32, %arg2: memref<1x2560x16xf32, #tpu.memory_space<vmem>>, %arg3: memref<1x128x16xf32, #tpu.memory_space<vmem>>, %arg4: memref<16x64xbf16, #tpu.memory_space<vmem>>, %arg5: memref<16x64xbf16, #tpu.memory_space<vmem>>, %arg6: memref<1x64xf32, #tpu.memory_space<vmem>>, %arg7: memref<1x128x64xf32, #tpu.memory_space<vmem>>, %arg8: memref<1x128x64xf32, #tpu.memory_space<vmem>>, %arg9: memref<1x1x8x64xf32, #tpu.memory_space<vmem>>) attributes {dimension_semantics = [#tpu.dimension_semantics<arbitrary>, #tpu.dimension_semantics<arbitrary>], iteration_bounds = array<i64: 16, 16>, scalar_prefetch = 0 : i64, scratch_operands = 0 : i64, tpu.core_type = #tpu.core_type<tc>, window_params = [{transform_indices = @transform_0, window_bounds = array<i64: 1, 2560, 16>}, {transform_indices = @transform_1, window_bounds = array<i64: 1, 128, 16>}, {pipeline_mode = #tpu.pipeline_mode<synchronous>, transform_indices = @transform_2, window_bounds = array<i64: 16, 64>}, {pipeline_mode = #tpu.pipeline_mode<synchronous>, transform_indices = @transform_3, window_bounds = array<i64: 16, 64>}, {pipeline_mode = #tpu.pipeline_mode<synchronous>, transform_indices = @transform_4, window_bounds = array<i64: 1, 64>}, {transform_indices = @transform_5, window_bounds = array<i64: 1, 128, 64>}, {transform_indices = @transform_6, window_bounds = array<i64: 1, 128, 64>}, {transform_indices = @transform_7, window_bounds = array<i64: 1, 1, 8, 64>}]} {
    %get3A = arith.constant 0 : index
    %get3A_0 = arith.constant 0 : index
    %get3A_1 = arith.constant 0 : index
    %get3A_2 = vector.load %arg3[%get3A, %get3A_0, %get3A_1] : memref<1x128x16xf32, #tpu.memory_space<vmem>>, vector<1x128x16xf32>
    %get3A_3 = vector.shape_cast %get3A_2 : vector<1x128x16xf32> to vector<128x16xf32>
    %convert_element_type3A = arith.truncf %get3A_3 : vector<128x16xf32> to vector<128x16xbf16>
    %get3A_4 = arith.constant 0 : index
    %get3A_5 = arith.constant 0 : index
    %get3A_6 = vector.load %arg4[%get3A_4, %get3A_5] : memref<16x64xbf16, #tpu.memory_space<vmem>>, vector<16x64xbf16>
    %dot_general3A = arith.constant dense<0.000000e+00> : vector<128x64xf32>
    %dot_general3A_7 = tpu.matmul %convert_element_type3A, %get3A_6, %dot_general3A {dimension_numbers = #tpu.dot_dimension_numbers<[1], [0], [0], [1], [0, 0, 1, 1], [], []>, transpose_lhs_hint = false} : vector<128x16xbf16>, vector<16x64xbf16>, vector<128x64xf32> -> vector<128x64xf32>
    %get3A_8 = arith.constant 0 : index
    %get3A_9 = arith.constant 0 : index
    %get3A_10 = vector.load %arg6[%get3A_8, %get3A_9] : memref<1x64xf32, #tpu.memory_space<vmem>>, vector<1x64xf32>
    %squeeze3A = vector.shape_cast %get3A_10 : vector<1x64xf32> to vector<64xf32>
    %broadcast_in_dim3A = vector.shape_cast %squeeze3A : vector<64xf32> to vector<1x64xf32>
    %add3A = vector.broadcast %broadcast_in_dim3A : vector<1x64xf32> to vector<128x64xf32>
    %add3A_11 = arith.addf %dot_general3A_7, %add3A : vector<128x64xf32>
    %get3A_12 = arith.constant 0 : index
    %get3A_13 = arith.constant 0 : index
    %get3A_14 = arith.constant 0 : index
    %get3A_15 = vector.load %arg2[%get3A_12, %get3A_13, %get3A_14] : memref<1x2560x16xf32, #tpu.memory_space<vmem>>, vector<1x2560x16xf32>
    %get3A_16 = vector.shape_cast %get3A_15 : vector<1x2560x16xf32> to vector<2560x16xf32>
    %reshape3A = vector.shape_cast %get3A_16 : vector<2560x16xf32> to vector<128x20x16xf32>
    %broadcast_in_dim3A_17 = vector.shape_cast %get3A_3 : vector<128x16xf32> to vector<128x1x16xf32>
    %sub3A = vector.broadcast %broadcast_in_dim3A_17 : vector<128x1x16xf32> to vector<128x20x16xf32>
    %sub3A_18 = arith.subf %reshape3A, %sub3A : vector<128x20x16xf32>
    %convert_element_type3A_19 = arith.truncf %sub3A_18 : vector<128x20x16xf32> to vector<128x20x16xbf16>
    %reshape3A_20 = vector.shape_cast %convert_element_type3A_19 : vector<128x20x16xbf16> to vector<2560x16xbf16>
    %get3A_21 = arith.constant 0 : index
    %get3A_22 = arith.constant 0 : index
    %get3A_23 = vector.load %arg5[%get3A_21, %get3A_22] : memref<16x64xbf16, #tpu.memory_space<vmem>>, vector<16x64xbf16>
    %dot_general3A_24 = arith.constant dense<0.000000e+00> : vector<2560x64xf32>
    %dot_general3A_25 = tpu.matmul %reshape3A_20, %get3A_23, %dot_general3A_24 {dimension_numbers = #tpu.dot_dimension_numbers<[1], [0], [0], [1], [0, 0, 1, 1], [], []>, transpose_lhs_hint = false} : vector<2560x16xbf16>, vector<16x64xbf16>, vector<2560x64xf32> -> vector<2560x64xf32>
    %reshape3A_26 = vector.shape_cast %dot_general3A_25 : vector<2560x64xf32> to vector<128x20x64xf32>
    %broadcast_in_dim3A_27 = vector.shape_cast %add3A_11 : vector<128x64xf32> to vector<128x1x64xf32>
    %add3A_28 = vector.broadcast %broadcast_in_dim3A_27 : vector<128x1x64xf32> to vector<128x20x64xf32>
    %add3A_29 = arith.addf %reshape3A_26, %add3A_28 : vector<128x20x64xf32>
    %reduce_sum3A = arith.constant dense<0.000000e+00> : vector<128x64xf32>
    %reduce_sum3A_30 = vector.multi_reduction <add>, %add3A_29, %reduce_sum3A [1] : vector<128x20x64xf32> to vector<128x64xf32>
    %mul3A = arith.mulf %add3A_29, %add3A_29 : vector<128x20x64xf32>
    %reduce_sum3A_31 = arith.constant dense<0.000000e+00> : vector<128x64xf32>
    %reduce_sum3A_32 = vector.multi_reduction <add>, %mul3A, %reduce_sum3A_31 [1] : vector<128x20x64xf32> to vector<128x64xf32>
    %reduce_max3A = arith.constant dense<0xFF800000> : vector<128x64xf32>
    %reduce_max3A_33 = vector.multi_reduction <maximumf>, %add3A_29, %reduce_max3A [1] : vector<128x20x64xf32> to vector<128x64xf32>
    %swap3A = arith.constant 0 : index
    %swap3A_34 = arith.constant 0 : index
    %swap3A_35 = arith.constant 0 : index
    %swap3A_36 = vector.load %arg7[%swap3A, %swap3A_34, %swap3A_35] : memref<1x128x64xf32, #tpu.memory_space<vmem>>, vector<1x128x64xf32>
    %swap3A_37 = vector.shape_cast %swap3A_36 : vector<1x128x64xf32> to vector<128x64xf32>
    %swap3A_38 = vector.shape_cast %reduce_max3A_33 : vector<128x64xf32> to vector<1x128x64xf32>
    tpu.vector_store %arg7[%swap3A, %swap3A_34, %swap3A_35], %swap3A_38 {strides = array<i32>} : memref<1x128x64xf32, #tpu.memory_space<vmem>>, vector<1x128x64xf32>,
    %reduce_min3A = arith.constant dense<0x7F800000> : vector<128x64xf32>
    %reduce_min3A_39 = vector.multi_reduction <minimumf>, %add3A_29, %reduce_min3A [1] : vector<128x20x64xf32> to vector<128x64xf32>
    %swap3A_40 = arith.constant 0 : index
    %swap3A_41 = arith.constant 0 : index
    %swap3A_42 = arith.constant 0 : index
    %swap3A_43 = vector.load %arg8[%swap3A_40, %swap3A_41, %swap3A_42] : memref<1x128x64xf32, #tpu.memory_space<vmem>>, vector<1x128x64xf32>
    %swap3A_44 = vector.shape_cast %swap3A_43 : vector<1x128x64xf32> to vector<128x64xf32>
    %swap3A_45 = vector.shape_cast %reduce_min3A_39 : vector<128x64xf32> to vector<1x128x64xf32>
    tpu.vector_store %arg8[%swap3A_40, %swap3A_41, %swap3A_42], %swap3A_45 {strides = array<i32>} : memref<1x128x64xf32, #tpu.memory_space<vmem>>, vector<1x128x64xf32>,
    %reduce_sum3A_46 = arith.constant dense<0.000000e+00> : vector<64xf32>
    %reduce_sum3A_47 = vector.multi_reduction <add>, %reduce_sum3A_30, %reduce_sum3A_46 [0] : vector<128x64xf32> to vector<64xf32>
    %broadcast_in_dim3A_48 = vector.shape_cast %reduce_sum3A_47 : vector<64xf32> to vector<1x64xf32>
    %reduce_sum3A_49 = arith.constant dense<0.000000e+00> : vector<64xf32>
    %reduce_sum3A_50 = vector.multi_reduction <add>, %reduce_sum3A_32, %reduce_sum3A_49 [0] : vector<128x64xf32> to vector<64xf32>
    %broadcast_in_dim3A_51 = vector.shape_cast %reduce_sum3A_50 : vector<64xf32> to vector<1x64xf32>
    %broadcast_in_dim3A_52 = arith.constant 0.000000e+00 : f32
    %broadcast_in_dim3A_53 = vector.broadcast %broadcast_in_dim3A_52 : f32 to vector<6x64xf32>
    %concatenate3A = tpu.concatenate %broadcast_in_dim3A_48, %broadcast_in_dim3A_51, %broadcast_in_dim3A_53 in 0 : vector<1x64xf32>, vector<1x64xf32>, vector<6x64xf32> -> vector<8x64xf32>
    %swap3A_54 = arith.constant 0 : index
    %swap3A_55 = arith.constant 0 : index
    %swap3A_56 = arith.constant 0 : index
    %swap3A_57 = arith.constant 0 : index
    %swap3A_58 = vector.load %arg9[%swap3A_54, %swap3A_55, %swap3A_56, %swap3A_57] : memref<1x1x8x64xf32, #tpu.memory_space<vmem>>, vector<1x1x8x64xf32>
    %swap3A_59 = vector.shape_cast %swap3A_58 : vector<1x1x8x64xf32> to vector<8x64xf32>
    %swap3A_60 = vector.shape_cast %concatenate3A : vector<8x64xf32> to vector<1x1x8x64xf32>
    tpu.vector_store %arg9[%swap3A_54, %swap3A_55, %swap3A_56, %swap3A_57], %swap3A_60 {strides = array<i32>} : memref<1x1x8x64xf32, #tpu.memory_space<vmem>>, vector<1x1x8x64xf32>,
    return
  }
  func.func @transform_0(%arg0: i32, %arg1: i32) -> (i32, i32, i32) {
    %c0_i32 = arith.constant 0 : i32
    %c0_i32_0 = arith.constant 0 : i32
    return %arg0, %arg1, %c0_i32 : i32, i32, i32
  }
  func.func @transform_1(%arg0: i32, %arg1: i32) -> (i32, i32, i32) {
    %c0_i32 = arith.constant 0 : i32
    %c0_i32_0 = arith.constant 0 : i32
    return %arg0, %arg1, %c0_i32 : i32, i32, i32
  }
  func.func @transform_2(%arg0: i32, %arg1: i32) -> (i32, i32) {
    %c0_i32 = arith.constant 0 : i32
    %c0_i32_0 = arith.constant 0 : i32
    %c0_i32_1 = arith.constant 0 : i32
    return %c0_i32, %c0_i32_0 : i32, i32
  }
  func.func @transform_3(%arg0: i32, %arg1: i32) -> (i32, i32) {
    %c0_i32 = arith.constant 0 : i32
    %c0_i32_0 = arith.constant 0 : i32
    %c0_i32_1 = arith.constant 0 : i32
    return %c0_i32, %c0_i32_0 : i32, i32
  }
  func.func @transform_4(%arg0: i32, %arg1: i32) -> (i32, i32) {
    %c0_i32 = arith.constant 0 : i32
    %c0_i32_0 = arith.constant 0 : i32
    %c0_i32_1 = arith.constant 0 : i32
    return %c0_i32, %c0_i32_0 : i32, i32
  }
  func.func @transform_5(%arg0: i32, %arg1: i32) -> (i32, i32, i32) {
    %c0_i32 = arith.constant 0 : i32
    %c0_i32_0 = arith.constant 0 : i32
    return %arg0, %arg1, %c0_i32 : i32, i32, i32
  }
  func.func @transform_6(%arg0: i32, %arg1: i32) -> (i32, i32, i32) {
    %c0_i32 = arith.constant 0 : i32
    %c0_i32_0 = arith.constant 0 : i32
    return %arg0, %arg1, %c0_i32 : i32, i32, i32
  }
  func.func @transform_7(%arg0: i32, %arg1: i32) -> (i32, i32, i32, i32) {
    %c0_i32 = arith.constant 0 : i32
    %c0_i32_0 = arith.constant 0 : i32
    %c0_i32_1 = arith.constant 0 : i32
    return %arg0, %arg1, %c0_i32, %c0_i32_0 : i32, i32, i32, i32
  }
}

module attributes {stable_mosaic.version = 14 : i64} {
  func.func @_fin_body(%arg0: i32, %arg1: i32, %arg2: memref<1x512x64xf32, #tpu.memory_space<vmem>>, %arg3: memref<1x512x64xf32, #tpu.memory_space<vmem>>, %arg4: memref<1x64xf32, #tpu.memory_space<vmem>>, %arg5: memref<1x64xf32, #tpu.memory_space<vmem>>, %arg6: memref<1x512x64xf32, #tpu.memory_space<vmem>>) attributes {dimension_semantics = [#tpu.dimension_semantics<arbitrary>, #tpu.dimension_semantics<arbitrary>], iteration_bounds = array<i64: 16, 4>, scalar_prefetch = 0 : i64, scratch_operands = 0 : i64, tpu.core_type = #tpu.core_type<tc>, window_params = [{transform_indices = @transform_0, window_bounds = array<i64: 1, 512, 64>}, {transform_indices = @transform_1, window_bounds = array<i64: 1, 512, 64>}, {pipeline_mode = #tpu.pipeline_mode<synchronous>, transform_indices = @transform_2, window_bounds = array<i64: 1, 64>}, {pipeline_mode = #tpu.pipeline_mode<synchronous>, transform_indices = @transform_3, window_bounds = array<i64: 1, 64>}, {transform_indices = @transform_4, window_bounds = array<i64: 1, 512, 64>}]} {
    %get3A = arith.constant 0 : index
    %get3A_0 = arith.constant 0 : index
    %get3A_1 = vector.load %arg4[%get3A, %get3A_0] : memref<1x64xf32, #tpu.memory_space<vmem>>, vector<1x64xf32>
    %squeeze3A = vector.shape_cast %get3A_1 : vector<1x64xf32> to vector<64xf32>
    %broadcast_in_dim3A = vector.shape_cast %squeeze3A : vector<64xf32> to vector<1x64xf32>
    %get3A_2 = arith.constant 0 : index
    %get3A_3 = arith.constant 0 : index
    %get3A_4 = vector.load %arg5[%get3A_2, %get3A_3] : memref<1x64xf32, #tpu.memory_space<vmem>>, vector<1x64xf32>
    %squeeze3A_5 = vector.shape_cast %get3A_4 : vector<1x64xf32> to vector<64xf32>
    %broadcast_in_dim3A_6 = vector.shape_cast %squeeze3A_5 : vector<64xf32> to vector<1x64xf32>
    %ge3A = arith.constant 0.000000e+00 : f32
    %ge3A_7 = vector.broadcast %ge3A : f32 to vector<1x64xf32>
    %ge3A_8 = arith.cmpf oge, %broadcast_in_dim3A, %ge3A_7 : vector<1x64xf32>
    %get3A_9 = arith.constant 0 : index
    %get3A_10 = arith.constant 0 : index
    %get3A_11 = arith.constant 0 : index
    %get3A_12 = vector.load %arg2[%get3A_9, %get3A_10, %get3A_11] : memref<1x512x64xf32, #tpu.memory_space<vmem>>, vector<1x512x64xf32>
    %get3A_13 = vector.shape_cast %get3A_12 : vector<1x512x64xf32> to vector<512x64xf32>
    %get3A_14 = arith.constant 0 : index
    %get3A_15 = arith.constant 0 : index
    %get3A_16 = arith.constant 0 : index
    %get3A_17 = vector.load %arg3[%get3A_14, %get3A_15, %get3A_16] : memref<1x512x64xf32, #tpu.memory_space<vmem>>, vector<1x512x64xf32>
    %get3A_18 = vector.shape_cast %get3A_17 : vector<1x512x64xf32> to vector<512x64xf32>
    %broadcast_in_dim3A_19 = vector.shape_cast %ge3A_8 : vector<1x64xi1> to vector<1x64xi1>
    %broadcast_in_dim3A_20 = vector.broadcast %broadcast_in_dim3A_19 : vector<1x64xi1> to vector<512x64xi1>
    %select_n3A = arith.select %broadcast_in_dim3A_20, %get3A_13, %get3A_18 : vector<512x64xi1>, vector<512x64xf32>
    %mul3A = vector.broadcast %broadcast_in_dim3A : vector<1x64xf32> to vector<512x64xf32>
    %mul3A_21 = arith.mulf %mul3A, %select_n3A : vector<512x64xf32>
    %add3A = vector.broadcast %broadcast_in_dim3A_6 : vector<1x64xf32> to vector<512x64xf32>
    %add3A_22 = arith.addf %mul3A_21, %add3A : vector<512x64xf32>
    %max3A = arith.constant 0.000000e+00 : f32
    %max3A_23 = vector.broadcast %max3A : f32 to vector<512x64xf32>
    %max3A_24 = arith.maximumf %add3A_22, %max3A_23 : vector<512x64xf32>
    %swap3A = arith.constant 0 : index
    %swap3A_25 = arith.constant 0 : index
    %swap3A_26 = arith.constant 0 : index
    %swap3A_27 = vector.load %arg6[%swap3A, %swap3A_25, %swap3A_26] : memref<1x512x64xf32, #tpu.memory_space<vmem>>, vector<1x512x64xf32>
    %swap3A_28 = vector.shape_cast %swap3A_27 : vector<1x512x64xf32> to vector<512x64xf32>
    %swap3A_29 = vector.shape_cast %max3A_24 : vector<512x64xf32> to vector<1x512x64xf32>
    tpu.vector_store %arg6[%swap3A, %swap3A_25, %swap3A_26], %swap3A_29 {strides = array<i32>} : memref<1x512x64xf32, #tpu.memory_space<vmem>>, vector<1x512x64xf32>,
    return
  }
  func.func @transform_0(%arg0: i32, %arg1: i32) -> (i32, i32, i32) {
    %c0_i32 = arith.constant 0 : i32
    %c0_i32_0 = arith.constant 0 : i32
    return %arg0, %arg1, %c0_i32 : i32, i32, i32
  }
  func.func @transform_1(%arg0: i32, %arg1: i32) -> (i32, i32, i32) {
    %c0_i32 = arith.constant 0 : i32
    %c0_i32_0 = arith.constant 0 : i32
    return %arg0, %arg1, %c0_i32 : i32, i32, i32
  }
  func.func @transform_2(%arg0: i32, %arg1: i32) -> (i32, i32) {
    %c0_i32 = arith.constant 0 : i32
    %c0_i32_0 = arith.constant 0 : i32
    %c0_i32_1 = arith.constant 0 : i32
    return %c0_i32, %c0_i32_0 : i32, i32
  }
  func.func @transform_3(%arg0: i32, %arg1: i32) -> (i32, i32) {
    %c0_i32 = arith.constant 0 : i32
    %c0_i32_0 = arith.constant 0 : i32
    %c0_i32_1 = arith.constant 0 : i32
    return %c0_i32, %c0_i32_0 : i32, i32
  }
  func.func @transform_4(%arg0: i32, %arg1: i32) -> (i32, i32, i32) {
    %c0_i32 = arith.constant 0 : i32
    %c0_i32_0 = arith.constant 0 : i32
    return %arg0, %arg1, %c0_i32 : i32, i32, i32
  }
}

module attributes {stable_mosaic.version = 14 : i64} {
  func.func @_conv_body(%arg0: i32, %arg1: i32, %arg2: memref<1x2560x64xf32, #tpu.memory_space<vmem>>, %arg3: memref<1x128x64xf32, #tpu.memory_space<vmem>>, %arg4: memref<64x64xbf16, #tpu.memory_space<vmem>>, %arg5: memref<64x64xbf16, #tpu.memory_space<vmem>>, %arg6: memref<1x64xf32, #tpu.memory_space<vmem>>, %arg7: memref<1x128x64xf32, #tpu.memory_space<vmem>>, %arg8: memref<1x128x64xf32, #tpu.memory_space<vmem>>, %arg9: memref<1x1x8x64xf32, #tpu.memory_space<vmem>>) attributes {dimension_semantics = [#tpu.dimension_semantics<arbitrary>, #tpu.dimension_semantics<arbitrary>], iteration_bounds = array<i64: 16, 16>, scalar_prefetch = 0 : i64, scratch_operands = 0 : i64, tpu.core_type = #tpu.core_type<tc>, window_params = [{transform_indices = @transform_0, window_bounds = array<i64: 1, 2560, 64>}, {transform_indices = @transform_1, window_bounds = array<i64: 1, 128, 64>}, {pipeline_mode = #tpu.pipeline_mode<synchronous>, transform_indices = @transform_2, window_bounds = array<i64: 64, 64>}, {pipeline_mode = #tpu.pipeline_mode<synchronous>, transform_indices = @transform_3, window_bounds = array<i64: 64, 64>}, {pipeline_mode = #tpu.pipeline_mode<synchronous>, transform_indices = @transform_4, window_bounds = array<i64: 1, 64>}, {transform_indices = @transform_5, window_bounds = array<i64: 1, 128, 64>}, {transform_indices = @transform_6, window_bounds = array<i64: 1, 128, 64>}, {transform_indices = @transform_7, window_bounds = array<i64: 1, 1, 8, 64>}]} {
    %get3A = arith.constant 0 : index
    %get3A_0 = arith.constant 0 : index
    %get3A_1 = arith.constant 0 : index
    %get3A_2 = vector.load %arg3[%get3A, %get3A_0, %get3A_1] : memref<1x128x64xf32, #tpu.memory_space<vmem>>, vector<1x128x64xf32>
    %get3A_3 = vector.shape_cast %get3A_2 : vector<1x128x64xf32> to vector<128x64xf32>
    %convert_element_type3A = arith.truncf %get3A_3 : vector<128x64xf32> to vector<128x64xbf16>
    %get3A_4 = arith.constant 0 : index
    %get3A_5 = arith.constant 0 : index
    %get3A_6 = vector.load %arg4[%get3A_4, %get3A_5] : memref<64x64xbf16, #tpu.memory_space<vmem>>, vector<64x64xbf16>
    %dot_general3A = arith.constant dense<0.000000e+00> : vector<128x64xf32>
    %dot_general3A_7 = tpu.matmul %convert_element_type3A, %get3A_6, %dot_general3A {dimension_numbers = #tpu.dot_dimension_numbers<[1], [0], [0], [1], [0, 0, 1, 1], [], []>, transpose_lhs_hint = false} : vector<128x64xbf16>, vector<64x64xbf16>, vector<128x64xf32> -> vector<128x64xf32>
    %get3A_8 = arith.constant 0 : index
    %get3A_9 = arith.constant 0 : index
    %get3A_10 = vector.load %arg6[%get3A_8, %get3A_9] : memref<1x64xf32, #tpu.memory_space<vmem>>, vector<1x64xf32>
    %squeeze3A = vector.shape_cast %get3A_10 : vector<1x64xf32> to vector<64xf32>
    %broadcast_in_dim3A = vector.shape_cast %squeeze3A : vector<64xf32> to vector<1x64xf32>
    %add3A = vector.broadcast %broadcast_in_dim3A : vector<1x64xf32> to vector<128x64xf32>
    %add3A_11 = arith.addf %dot_general3A_7, %add3A : vector<128x64xf32>
    %get3A_12 = arith.constant 0 : index
    %get3A_13 = arith.constant 0 : index
    %get3A_14 = arith.constant 0 : index
    %get3A_15 = vector.load %arg2[%get3A_12, %get3A_13, %get3A_14] : memref<1x2560x64xf32, #tpu.memory_space<vmem>>, vector<1x2560x64xf32>
    %get3A_16 = vector.shape_cast %get3A_15 : vector<1x2560x64xf32> to vector<2560x64xf32>
    %reshape3A = vector.shape_cast %get3A_16 : vector<2560x64xf32> to vector<128x20x64xf32>
    %broadcast_in_dim3A_17 = vector.shape_cast %get3A_3 : vector<128x64xf32> to vector<128x1x64xf32>
    %sub3A = vector.broadcast %broadcast_in_dim3A_17 : vector<128x1x64xf32> to vector<128x20x64xf32>
    %sub3A_18 = arith.subf %reshape3A, %sub3A : vector<128x20x64xf32>
    %convert_element_type3A_19 = arith.truncf %sub3A_18 : vector<128x20x64xf32> to vector<128x20x64xbf16>
    %reshape3A_20 = vector.shape_cast %convert_element_type3A_19 : vector<128x20x64xbf16> to vector<2560x64xbf16>
    %get3A_21 = arith.constant 0 : index
    %get3A_22 = arith.constant 0 : index
    %get3A_23 = vector.load %arg5[%get3A_21, %get3A_22] : memref<64x64xbf16, #tpu.memory_space<vmem>>, vector<64x64xbf16>
    %dot_general3A_24 = arith.constant dense<0.000000e+00> : vector<2560x64xf32>
    %dot_general3A_25 = tpu.matmul %reshape3A_20, %get3A_23, %dot_general3A_24 {dimension_numbers = #tpu.dot_dimension_numbers<[1], [0], [0], [1], [0, 0, 1, 1], [], []>, transpose_lhs_hint = false} : vector<2560x64xbf16>, vector<64x64xbf16>, vector<2560x64xf32> -> vector<2560x64xf32>
    %reshape3A_26 = vector.shape_cast %dot_general3A_25 : vector<2560x64xf32> to vector<128x20x64xf32>
    %broadcast_in_dim3A_27 = vector.shape_cast %add3A_11 : vector<128x64xf32> to vector<128x1x64xf32>
    %add3A_28 = vector.broadcast %broadcast_in_dim3A_27 : vector<128x1x64xf32> to vector<128x20x64xf32>
    %add3A_29 = arith.addf %reshape3A_26, %add3A_28 : vector<128x20x64xf32>
    %reduce_sum3A = arith.constant dense<0.000000e+00> : vector<128x64xf32>
    %reduce_sum3A_30 = vector.multi_reduction <add>, %add3A_29, %reduce_sum3A [1] : vector<128x20x64xf32> to vector<128x64xf32>
    %mul3A = arith.mulf %add3A_29, %add3A_29 : vector<128x20x64xf32>
    %reduce_sum3A_31 = arith.constant dense<0.000000e+00> : vector<128x64xf32>
    %reduce_sum3A_32 = vector.multi_reduction <add>, %mul3A, %reduce_sum3A_31 [1] : vector<128x20x64xf32> to vector<128x64xf32>
    %reduce_max3A = arith.constant dense<0xFF800000> : vector<128x64xf32>
    %reduce_max3A_33 = vector.multi_reduction <maximumf>, %add3A_29, %reduce_max3A [1] : vector<128x20x64xf32> to vector<128x64xf32>
    %swap3A = arith.constant 0 : index
    %swap3A_34 = arith.constant 0 : index
    %swap3A_35 = arith.constant 0 : index
    %swap3A_36 = vector.load %arg7[%swap3A, %swap3A_34, %swap3A_35] : memref<1x128x64xf32, #tpu.memory_space<vmem>>, vector<1x128x64xf32>
    %swap3A_37 = vector.shape_cast %swap3A_36 : vector<1x128x64xf32> to vector<128x64xf32>
    %swap3A_38 = vector.shape_cast %reduce_max3A_33 : vector<128x64xf32> to vector<1x128x64xf32>
    tpu.vector_store %arg7[%swap3A, %swap3A_34, %swap3A_35], %swap3A_38 {strides = array<i32>} : memref<1x128x64xf32, #tpu.memory_space<vmem>>, vector<1x128x64xf32>,
    %reduce_min3A = arith.constant dense<0x7F800000> : vector<128x64xf32>
    %reduce_min3A_39 = vector.multi_reduction <minimumf>, %add3A_29, %reduce_min3A [1] : vector<128x20x64xf32> to vector<128x64xf32>
    %swap3A_40 = arith.constant 0 : index
    %swap3A_41 = arith.constant 0 : index
    %swap3A_42 = arith.constant 0 : index
    %swap3A_43 = vector.load %arg8[%swap3A_40, %swap3A_41, %swap3A_42] : memref<1x128x64xf32, #tpu.memory_space<vmem>>, vector<1x128x64xf32>
    %swap3A_44 = vector.shape_cast %swap3A_43 : vector<1x128x64xf32> to vector<128x64xf32>
    %swap3A_45 = vector.shape_cast %reduce_min3A_39 : vector<128x64xf32> to vector<1x128x64xf32>
    tpu.vector_store %arg8[%swap3A_40, %swap3A_41, %swap3A_42], %swap3A_45 {strides = array<i32>} : memref<1x128x64xf32, #tpu.memory_space<vmem>>, vector<1x128x64xf32>,
    %reduce_sum3A_46 = arith.constant dense<0.000000e+00> : vector<64xf32>
    %reduce_sum3A_47 = vector.multi_reduction <add>, %reduce_sum3A_30, %reduce_sum3A_46 [0] : vector<128x64xf32> to vector<64xf32>
    %broadcast_in_dim3A_48 = vector.shape_cast %reduce_sum3A_47 : vector<64xf32> to vector<1x64xf32>
    %reduce_sum3A_49 = arith.constant dense<0.000000e+00> : vector<64xf32>
    %reduce_sum3A_50 = vector.multi_reduction <add>, %reduce_sum3A_32, %reduce_sum3A_49 [0] : vector<128x64xf32> to vector<64xf32>
    %broadcast_in_dim3A_51 = vector.shape_cast %reduce_sum3A_50 : vector<64xf32> to vector<1x64xf32>
    %broadcast_in_dim3A_52 = arith.constant 0.000000e+00 : f32
    %broadcast_in_dim3A_53 = vector.broadcast %broadcast_in_dim3A_52 : f32 to vector<6x64xf32>
    %concatenate3A = tpu.concatenate %broadcast_in_dim3A_48, %broadcast_in_dim3A_51, %broadcast_in_dim3A_53 in 0 : vector<1x64xf32>, vector<1x64xf32>, vector<6x64xf32> -> vector<8x64xf32>
    %swap3A_54 = arith.constant 0 : index
    %swap3A_55 = arith.constant 0 : index
    %swap3A_56 = arith.constant 0 : index
    %swap3A_57 = arith.constant 0 : index
    %swap3A_58 = vector.load %arg9[%swap3A_54, %swap3A_55, %swap3A_56, %swap3A_57] : memref<1x1x8x64xf32, #tpu.memory_space<vmem>>, vector<1x1x8x64xf32>
    %swap3A_59 = vector.shape_cast %swap3A_58 : vector<1x1x8x64xf32> to vector<8x64xf32>
    %swap3A_60 = vector.shape_cast %concatenate3A : vector<8x64xf32> to vector<1x1x8x64xf32>
    tpu.vector_store %arg9[%swap3A_54, %swap3A_55, %swap3A_56, %swap3A_57], %swap3A_60 {strides = array<i32>} : memref<1x1x8x64xf32, #tpu.memory_space<vmem>>, vector<1x1x8x64xf32>,
    return
  }
  func.func @transform_0(%arg0: i32, %arg1: i32) -> (i32, i32, i32) {
    %c0_i32 = arith.constant 0 : i32
    %c0_i32_0 = arith.constant 0 : i32
    return %arg0, %arg1, %c0_i32 : i32, i32, i32
  }
  func.func @transform_1(%arg0: i32, %arg1: i32) -> (i32, i32, i32) {
    %c0_i32 = arith.constant 0 : i32
    %c0_i32_0 = arith.constant 0 : i32
    return %arg0, %arg1, %c0_i32 : i32, i32, i32
  }
  func.func @transform_2(%arg0: i32, %arg1: i32) -> (i32, i32) {
    %c0_i32 = arith.constant 0 : i32
    %c0_i32_0 = arith.constant 0 : i32
    %c0_i32_1 = arith.constant 0 : i32
    return %c0_i32, %c0_i32_0 : i32, i32
  }
  func.func @transform_3(%arg0: i32, %arg1: i32) -> (i32, i32) {
    %c0_i32 = arith.constant 0 : i32
    %c0_i32_0 = arith.constant 0 : i32
    %c0_i32_1 = arith.constant 0 : i32
    return %c0_i32, %c0_i32_0 : i32, i32
  }
  func.func @transform_4(%arg0: i32, %arg1: i32) -> (i32, i32) {
    %c0_i32 = arith.constant 0 : i32
    %c0_i32_0 = arith.constant 0 : i32
    %c0_i32_1 = arith.constant 0 : i32
    return %c0_i32, %c0_i32_0 : i32, i32
  }
  func.func @transform_5(%arg0: i32, %arg1: i32) -> (i32, i32, i32) {
    %c0_i32 = arith.constant 0 : i32
    %c0_i32_0 = arith.constant 0 : i32
    return %arg0, %arg1, %c0_i32 : i32, i32, i32
  }
  func.func @transform_6(%arg0: i32, %arg1: i32) -> (i32, i32, i32) {
    %c0_i32 = arith.constant 0 : i32
    %c0_i32_0 = arith.constant 0 : i32
    return %arg0, %arg1, %c0_i32 : i32, i32, i32
  }
  func.func @transform_7(%arg0: i32, %arg1: i32) -> (i32, i32, i32, i32) {
    %c0_i32 = arith.constant 0 : i32
    %c0_i32_0 = arith.constant 0 : i32
    %c0_i32_1 = arith.constant 0 : i32
    return %arg0, %arg1, %c0_i32, %c0_i32_0 : i32, i32, i32, i32
  }
}

module attributes {stable_mosaic.version = 14 : i64} {
  func.func @_fconv_body(%arg0: i32, %arg1: i32, %arg2: memref<1x256x192xf32, #tpu.memory_space<vmem>>, %arg3: memref<192x128xbf16, #tpu.memory_space<vmem>>, %arg4: memref<1x128xf32, #tpu.memory_space<vmem>>, %arg5: memref<1x256x128xf32, #tpu.memory_space<vmem>>, %arg6: memref<1x1x8x128xf32, #tpu.memory_space<vmem>>) attributes {dimension_semantics = [#tpu.dimension_semantics<arbitrary>, #tpu.dimension_semantics<arbitrary>], iteration_bounds = array<i64: 16, 8>, scalar_prefetch = 0 : i64, scratch_operands = 0 : i64, tpu.core_type = #tpu.core_type<tc>, window_params = [{transform_indices = @transform_0, window_bounds = array<i64: 1, 256, 192>}, {pipeline_mode = #tpu.pipeline_mode<synchronous>, transform_indices = @transform_1, window_bounds = array<i64: 192, 128>}, {pipeline_mode = #tpu.pipeline_mode<synchronous>, transform_indices = @transform_2, window_bounds = array<i64: 1, 128>}, {transform_indices = @transform_3, window_bounds = array<i64: 1, 256, 128>}, {transform_indices = @transform_4, window_bounds = array<i64: 1, 1, 8, 128>}]} {
    %get3A = arith.constant 0 : index
    %get3A_0 = arith.constant 0 : index
    %get3A_1 = arith.constant 0 : index
    %get3A_2 = vector.load %arg2[%get3A, %get3A_0, %get3A_1] : memref<1x256x192xf32, #tpu.memory_space<vmem>>, vector<1x256x192xf32>
    %get3A_3 = vector.shape_cast %get3A_2 : vector<1x256x192xf32> to vector<256x192xf32>
    %convert_element_type3A = arith.truncf %get3A_3 : vector<256x192xf32> to vector<256x192xbf16>
    %get3A_4 = arith.constant 0 : index
    %get3A_5 = arith.constant 0 : index
    %get3A_6 = vector.load %arg3[%get3A_4, %get3A_5] : memref<192x128xbf16, #tpu.memory_space<vmem>>, vector<192x128xbf16>
    %dot_general3A = arith.constant dense<0.000000e+00> : vector<256x128xf32>
    %dot_general3A_7 = tpu.matmul %convert_element_type3A, %get3A_6, %dot_general3A {dimension_numbers = #tpu.dot_dimension_numbers<[1], [0], [0], [1], [0, 0, 1, 1], [], []>, transpose_lhs_hint = false} : vector<256x192xbf16>, vector<192x128xbf16>, vector<256x128xf32> -> vector<256x128xf32>
    %get3A_8 = arith.constant 0 : index
    %get3A_9 = arith.constant 0 : index
    %get3A_10 = vector.load %arg4[%get3A_8, %get3A_9] : memref<1x128xf32, #tpu.memory_space<vmem>>, vector<1x128xf32>
    %squeeze3A = vector.shape_cast %get3A_10 : vector<1x128xf32> to vector<128xf32>
    %broadcast_in_dim3A = vector.shape_cast %squeeze3A : vector<128xf32> to vector<1x128xf32>
    %add3A = vector.broadcast %broadcast_in_dim3A : vector<1x128xf32> to vector<256x128xf32>
    %add3A_11 = arith.addf %dot_general3A_7, %add3A : vector<256x128xf32>
    %swap3A = arith.constant 0 : index
    %swap3A_12 = arith.constant 0 : index
    %swap3A_13 = arith.constant 0 : index
    %swap3A_14 = vector.load %arg5[%swap3A, %swap3A_12, %swap3A_13] : memref<1x256x128xf32, #tpu.memory_space<vmem>>, vector<1x256x128xf32>
    %swap3A_15 = vector.shape_cast %swap3A_14 : vector<1x256x128xf32> to vector<256x128xf32>
    %swap3A_16 = vector.shape_cast %add3A_11 : vector<256x128xf32> to vector<1x256x128xf32>
    tpu.vector_store %arg5[%swap3A, %swap3A_12, %swap3A_13], %swap3A_16 {strides = array<i32>} : memref<1x256x128xf32, #tpu.memory_space<vmem>>, vector<1x256x128xf32>,
    %reduce_sum3A = arith.constant dense<0.000000e+00> : vector<128xf32>
    %reduce_sum3A_17 = vector.multi_reduction <add>, %add3A_11, %reduce_sum3A [0] : vector<256x128xf32> to vector<128xf32>
    %broadcast_in_dim3A_18 = vector.shape_cast %reduce_sum3A_17 : vector<128xf32> to vector<1x128xf32>
    %mul3A = arith.mulf %add3A_11, %add3A_11 : vector<256x128xf32>
    %reduce_sum3A_19 = arith.constant dense<0.000000e+00> : vector<128xf32>
    %reduce_sum3A_20 = vector.multi_reduction <add>, %mul3A, %reduce_sum3A_19 [0] : vector<256x128xf32> to vector<128xf32>
    %broadcast_in_dim3A_21 = vector.shape_cast %reduce_sum3A_20 : vector<128xf32> to vector<1x128xf32>
    %broadcast_in_dim3A_22 = arith.constant 0.000000e+00 : f32
    %broadcast_in_dim3A_23 = vector.broadcast %broadcast_in_dim3A_22 : f32 to vector<6x128xf32>
    %concatenate3A = tpu.concatenate %broadcast_in_dim3A_18, %broadcast_in_dim3A_21, %broadcast_in_dim3A_23 in 0 : vector<1x128xf32>, vector<1x128xf32>, vector<6x128xf32> -> vector<8x128xf32>
    %swap3A_24 = arith.constant 0 : index
    %swap3A_25 = arith.constant 0 : index
    %swap3A_26 = arith.constant 0 : index
    %swap3A_27 = arith.constant 0 : index
    %swap3A_28 = vector.load %arg6[%swap3A_24, %swap3A_25, %swap3A_26, %swap3A_27] : memref<1x1x8x128xf32, #tpu.memory_space<vmem>>, vector<1x1x8x128xf32>
    %swap3A_29 = vector.shape_cast %swap3A_28 : vector<1x1x8x128xf32> to vector<8x128xf32>
    %swap3A_30 = vector.shape_cast %concatenate3A : vector<8x128xf32> to vector<1x1x8x128xf32>
    tpu.vector_store %arg6[%swap3A_24, %swap3A_25, %swap3A_26, %swap3A_27], %swap3A_30 {strides = array<i32>} : memref<1x1x8x128xf32, #tpu.memory_space<vmem>>, vector<1x1x8x128xf32>,
    return
  }
  func.func @transform_0(%arg0: i32, %arg1: i32) -> (i32, i32, i32) {
    %c0_i32 = arith.constant 0 : i32
    %c0_i32_0 = arith.constant 0 : i32
    return %arg0, %arg1, %c0_i32 : i32, i32, i32
  }
  func.func @transform_1(%arg0: i32, %arg1: i32) -> (i32, i32) {
    %c0_i32 = arith.constant 0 : i32
    %c0_i32_0 = arith.constant 0 : i32
    %c0_i32_1 = arith.constant 0 : i32
    return %c0_i32, %c0_i32_0 : i32, i32
  }
  func.func @transform_2(%arg0: i32, %arg1: i32) -> (i32, i32) {
    %c0_i32 = arith.constant 0 : i32
    %c0_i32_0 = arith.constant 0 : i32
    %c0_i32_1 = arith.constant 0 : i32
    return %c0_i32, %c0_i32_0 : i32, i32
  }
  func.func @transform_3(%arg0: i32, %arg1: i32) -> (i32, i32, i32) {
    %c0_i32 = arith.constant 0 : i32
    %c0_i32_0 = arith.constant 0 : i32
    return %arg0, %arg1, %c0_i32 : i32, i32, i32
  }
  func.func @transform_4(%arg0: i32, %arg1: i32) -> (i32, i32, i32, i32) {
    %c0_i32 = arith.constant 0 : i32
    %c0_i32_0 = arith.constant 0 : i32
    %c0_i32_1 = arith.constant 0 : i32
    return %arg0, %arg1, %c0_i32, %c0_i32_0 : i32, i32, i32, i32
  }
}

module attributes {stable_mosaic.version = 14 : i64} {
  func.func @_ffin_body(%arg0: i32, %arg1: i32, %arg2: memref<1x512x128xf32, #tpu.memory_space<vmem>>, %arg3: memref<1x128xf32, #tpu.memory_space<vmem>>, %arg4: memref<1x128xf32, #tpu.memory_space<vmem>>, %arg5: memref<1x512x128xf32, #tpu.memory_space<vmem>>) attributes {dimension_semantics = [#tpu.dimension_semantics<arbitrary>, #tpu.dimension_semantics<arbitrary>], iteration_bounds = array<i64: 16, 4>, scalar_prefetch = 0 : i64, scratch_operands = 0 : i64, tpu.core_type = #tpu.core_type<tc>, window_params = [{transform_indices = @transform_0, window_bounds = array<i64: 1, 512, 128>}, {pipeline_mode = #tpu.pipeline_mode<synchronous>, transform_indices = @transform_1, window_bounds = array<i64: 1, 128>}, {pipeline_mode = #tpu.pipeline_mode<synchronous>, transform_indices = @transform_2, window_bounds = array<i64: 1, 128>}, {transform_indices = @transform_3, window_bounds = array<i64: 1, 512, 128>}]} {
    %get3A = arith.constant 0 : index
    %get3A_0 = arith.constant 0 : index
    %get3A_1 = vector.load %arg3[%get3A, %get3A_0] : memref<1x128xf32, #tpu.memory_space<vmem>>, vector<1x128xf32>
    %squeeze3A = vector.shape_cast %get3A_1 : vector<1x128xf32> to vector<128xf32>
    %broadcast_in_dim3A = vector.shape_cast %squeeze3A : vector<128xf32> to vector<1x128xf32>
    %get3A_2 = arith.constant 0 : index
    %get3A_3 = arith.constant 0 : index
    %get3A_4 = vector.load %arg4[%get3A_2, %get3A_3] : memref<1x128xf32, #tpu.memory_space<vmem>>, vector<1x128xf32>
    %squeeze3A_5 = vector.shape_cast %get3A_4 : vector<1x128xf32> to vector<128xf32>
    %broadcast_in_dim3A_6 = vector.shape_cast %squeeze3A_5 : vector<128xf32> to vector<1x128xf32>
    %get3A_7 = arith.constant 0 : index
    %get3A_8 = arith.constant 0 : index
    %get3A_9 = arith.constant 0 : index
    %get3A_10 = vector.load %arg2[%get3A_7, %get3A_8, %get3A_9] : memref<1x512x128xf32, #tpu.memory_space<vmem>>, vector<1x512x128xf32>
    %get3A_11 = vector.shape_cast %get3A_10 : vector<1x512x128xf32> to vector<512x128xf32>
    %mul3A = vector.broadcast %broadcast_in_dim3A : vector<1x128xf32> to vector<512x128xf32>
    %mul3A_12 = arith.mulf %get3A_11, %mul3A : vector<512x128xf32>
    %add3A = vector.broadcast %broadcast_in_dim3A_6 : vector<1x128xf32> to vector<512x128xf32>
    %add3A_13 = arith.addf %mul3A_12, %add3A : vector<512x128xf32>
    %max3A = arith.constant 0.000000e+00 : f32
    %max3A_14 = vector.broadcast %max3A : f32 to vector<512x128xf32>
    %max3A_15 = arith.maximumf %add3A_13, %max3A_14 : vector<512x128xf32>
    %swap3A = arith.constant 0 : index
    %swap3A_16 = arith.constant 0 : index
    %swap3A_17 = arith.constant 0 : index
    %swap3A_18 = vector.load %arg5[%swap3A, %swap3A_16, %swap3A_17] : memref<1x512x128xf32, #tpu.memory_space<vmem>>, vector<1x512x128xf32>
    %swap3A_19 = vector.shape_cast %swap3A_18 : vector<1x512x128xf32> to vector<512x128xf32>
    %swap3A_20 = vector.shape_cast %max3A_15 : vector<512x128xf32> to vector<1x512x128xf32>
    tpu.vector_store %arg5[%swap3A, %swap3A_16, %swap3A_17], %swap3A_20 {strides = array<i32>} : memref<1x512x128xf32, #tpu.memory_space<vmem>>, vector<1x512x128xf32>,
    return
  }
  func.func @transform_0(%arg0: i32, %arg1: i32) -> (i32, i32, i32) {
    %c0_i32 = arith.constant 0 : i32
    %c0_i32_0 = arith.constant 0 : i32
    return %arg0, %arg1, %c0_i32 : i32, i32, i32
  }
  func.func @transform_1(%arg0: i32, %arg1: i32) -> (i32, i32) {
    %c0_i32 = arith.constant 0 : i32
    %c0_i32_0 = arith.constant 0 : i32
    %c0_i32_1 = arith.constant 0 : i32
    return %c0_i32, %c0_i32_0 : i32, i32
  }
  func.func @transform_2(%arg0: i32, %arg1: i32) -> (i32, i32) {
    %c0_i32 = arith.constant 0 : i32
    %c0_i32_0 = arith.constant 0 : i32
    %c0_i32_1 = arith.constant 0 : i32
    return %c0_i32, %c0_i32_0 : i32, i32
  }
  func.func @transform_3(%arg0: i32, %arg1: i32) -> (i32, i32, i32) {
    %c0_i32 = arith.constant 0 : i32
    %c0_i32_0 = arith.constant 0 : i32
    return %arg0, %arg1, %c0_i32 : i32, i32, i32
  }
}

</mosaic_0001>

<sc_bundles>
// kernel: kernel.13.cloned.1.call-start
scs
__scs_entry_jumppad:
0x0: {  	(pc) =	sbr.rel $0x88, $3  }
0x1: {  	(tag) =	ssettag $0x0;
	lr =	simm.s32 $0x1  }
0x2: {  	[smem:$0x3F90] =	sst lr;
	_ =	strace $0xD0000000  }
0x3: {  	_ = 	snop  }
0x4: {  	_ = 	snop  }
0x5: {  	_ = 	snop  }
0x6: {  	_ = 	snop  }
0x7: {  	_ = 	snop  }
__scs_overlays_trampoline_lowered:
0x8: {  	[smem:$0x3F9F] =	sst s0  }
0x9: {  	[smem:$0x3FA0] =	sst s1  }
0xa: {  	[smem:$0x3FA1] =	sst s2  }
0xb: {  	[smem:$0x3FA2] =	sst s3  }
0xc: {  	[smem:$0x3FA3] =	sst s4  }
0xd: {  	[smem:$0x3FA4] =	sst s5  }
0xe: {  	[smem:$0x3FA5] =	sst s6  }
0xf: {  	[smem:$0x3FA6] =	sst s7  }
0x10: {  	[smem:$0x3FA7] =	sst s8  }
0x11: {  	[smem:$0x3FA8] =	sst s9;
	s0 =	simm.s32 @!p0 $0x0  }
0x12: {  	s1 =	sld [smem:$0x3F8E];
	s0 =	simm.s32 @p0 $0x1  }
0x13: {  	[smem:$0x3FA9] =	sst s0;
	s0 =	simm.s32 @!p1 $0x0  }
0x14: {  	s2 =	sld [smem:$0x3F8D];
	s0 =	simm.s32 @p1 $0x1  }
0x15: {  	[smem:$0x3FAA] =	sst s0;
	s0 =	simm.s32 @!p2 $0x0  }
0x16: {  	s3 =	sld [smem:$0x3FDB];
	s0 =	simm.s32 @p2 $0x1  }
0x17: {  	s4 =	simm.s32 $0x1BF5;
	[smem:$0x3FAC] =	sst s0  }
0x18: {  	s0 =	sld [smem:$0x3F8F];
	_ =	swait.ge [sflag:s4], $0x0  }
0x19: {  	s7 =	sld [smem:$0x3F90]  }
0x1a: {  	s8 =	sadd.s32 $0xFFFFE003, lr  }
0x1b: {  	s9 =	sadd.s32 $0xFFFFFEF7, lr;
	s5 =	simm.s32 $0xFFFFFFFF;
	p2 =	slt.u32 s8, $0xFFFFF086  }
0x1c: {  	p1 =	slt.u32 s9, $0xF7A;
	s5 =	simm.s32 @!p2 $0x0  }
0x1d: {  	s5 =	simm.s32 @p1 $0x1;
	p0 =	seq.s32 s7, s2  }
0x1e: {  	s7 =	smul.u32 @!p0 $0xF7A, s2;
	p2 =	seq.s32 @!p0 s5, $0x0  }
0x1f: {  	s9 =	smul.u32 $0xF7A, s1;
	s8 =	simm.s32 @!p0 $0x1BF5;
	p2 =	por !p2, p0  }
0x20: {  	[sflag:s8] =	ssyncset.s32 @!p0 $0xFFFFF086;
	s6 =	sadd.s32 @!p0 s3, s7;
	s7 =	simm.s32 @!p0 $0x108  }
0x21: {  	s3 =	sadd.s32 s3, s9;
	s6 =	sadd.s32 @!p0 $0x88, s6;
	s7 =	simm.s32 @p2 $0x1082  }
0x22: {  	[simem:s7], [sflag:s8] =	dma.local @!p0 [hbm:s6], $0xF7A  }
0x23: {  	s9 =	sor.u32 $0xD0000000, s2;
	s6 =	simm.s32 $0x108;
	_ =	swait.ge @!p0 [sflag:s8], $0x0  }
0x24: {  	s3 =	sadd.s32 $0x88, s3;
	s6 =	simm.s32 @!p1 $0x1082;
	[sflag:s4] =	ssyncset.s32 $0xFFFFF086  }
0x25: {  	[simem:s6], [sflag:s4] =	dma.local [hbm:s3], $0xF7A  }
0x26: {  	[smem:$0x3F90] =	sst s1;
	(tag) =	ssettag s2;
	_ =	strace s9  }
0x27: {  	s1 =	sld [smem:$0x3FA0]  }
0x28: {  	s2 =	sld [smem:$0x3FA1]  }
0x29: {  	s4 =	sld [smem:$0x3FA3]  }
0x2a: {  	p0 =	seq.s32 s5, $0x0;
	s5 =	sld [smem:$0x3FA4]  }
0x2b: {  	s6 =	sld [smem:$0x3FA5]  }
0x2c: {  	s7 =	sld [smem:$0x3FA6]  }
0x2d: {  	s3 =	simm.s32 $0x108;
	s8 =	sld [smem:$0x3FA7]  }
0x2e: {  	s3 =	simm.s32 @!p0 $0x1082;
	s9 =	sld [smem:$0x3FA8]  }
0x2f: {  	lr =	sadd.s32 s0, s3;
	s0 =	sld [smem:$0x3F9F]  }
0x30: {  	s3 =	sld [smem:$0x3FA2]  }
0x31: {  	[smem:$0x3FAB] =	sst s10  }
0x32: {  	s10 =	sld [smem:$0x3FA9];
	_ =	sdelay $0x3  }
0x33: {  	p0 =	seq.s32 s10, $0x1;
	s10 =	sld [smem:$0x3FAB];
	_ =	sdelay $0x3  }
0x34: {  	[smem:$0x3FAB] =	sst s10  }
0x35: {  	s10 =	sld [smem:$0x3FAA];
	_ =	sdelay $0x3  }
0x36: {  	p1 =	seq.s32 s10, $0x1;
	s10 =	sld [smem:$0x3FAB];
	_ =	sdelay $0x3  }
0x37: {  	[smem:$0x3FAB] =	sst s10  }
0x38: {  	s10 =	sld [smem:$0x3FAC]  }
0x39: {  	_ = 	snop;
	(pc) =	sbr.ind lr, $3  }
0x3a: {  	_ = 	snop  }
0x3b: {  	_ = 	snop  }
0x3c: {  	p2 =	seq.s32 s10, $0x1;
	s10 =	sld [smem:$0x3FAB]  }
0x3d: {  	_ =	shalt  }
0x3e: {  	_ =	shalt  }
0x3f: {  	_ =	shalt  }
0x40: {  	_ =	shalt  }
0x41: {  	_ =	shalt  }
0x42: {  	_ =	shalt  }
0x43: {  	_ =	shalt  }
0x44: {  	_ =	shalt  }
0x45: {  	_ =	shalt  }
0x46: {  	_ =	shalt  }
0x47: {  	_ =	shalt  }
0x48: {  	_ =	shalt  }
0x49: {  	_ =	shalt  }
0x4a: {  	_ =	shalt  }
0x4b: {  	_ =	shalt  }
0x4c: {  	_ =	shalt  }
0x4d: {  	_ =	shalt  }
0x4e: {  	_ =	shalt  }
0x4f: {  	_ =	shalt  }
0x50: {  	_ =	shalt  }
0x51: {  	_ =	shalt  }
0x52: {  	_ =	shalt  }
0x53: {  	_ =	shalt  }
0x54: {  	_ =	shalt  }
0x55: {  	_ =	shalt  }
0x56: {  	_ =	shalt  }
0x57: {  	_ =	shalt  }
0x58: {  	_ =	shalt  }
0x59: {  	_ =	shalt  }
0x5a: {  	_ =	shalt  }
0x5b: {  	_ =	shalt  }
0x5c: {  	_ =	shalt  }
0x5d: {  	_ =	shalt  }
0x5e: {  	_ =	shalt  }
0x5f: {  	_ =	shalt  }
0x60: {  	_ =	shalt  }
0x61: {  	_ =	shalt  }
0x62: {  	_ =	shalt  }
0x63: {  	_ =	shalt  }
0x64: {  	_ =	shalt  }
0x65: {  	_ =	shalt  }
0x66: {  	_ =	shalt  }
0x67: {  	_ =	shalt  }
0x68: {  	_ =	shalt  }
0x69: {  	_ =	shalt  }
0x6a: {  	_ =	shalt  }
0x6b: {  	_ =	shalt  }
0x6c: {  	_ =	shalt  }
0x6d: {  	_ =	shalt  }
0x6e: {  	_ =	shalt  }
0x6f: {  	_ =	shalt  }
0x70: {  	_ =	shalt  }
0x71: {  	_ =	shalt  }
0x72: {  	_ =	shalt  }
0x73: {  	_ =	shalt  }
0x74: {  	_ =	shalt  }
0x75: {  	_ =	shalt  }
0x76: {  	_ =	shalt  }
0x77: {  	_ =	shalt  }
0x78: {  	_ =	shalt  }
0x79: {  	_ =	shalt  }
0x7a: {  	_ =	shalt  }
0x7b: {  	_ =	shalt  }
0x7c: {  	_ =	shalt  }
0x7d: {  	_ =	shalt  }
0x7e: {  	_ =	shalt  }
0x7f: {  	_ =	shalt  }
0x80: {  	_ =	shalt  }
0x81: {  	_ =	shalt  }
0x82: {  	_ =	shalt  }
0x83: {  	_ =	shalt  }
0x84: {  	_ =	shalt  }
0x85: {  	_ =	shalt  }
0x86: {  	_ =	shalt  }
0x87: {  	_ =	shalt  }
.Lfunc_end0:
.L_simem_size_0:
called_computation_lowered:
.L_overlay_start_0:
0x88: {  	s2 =	sld [smem:$0x3FD9]  }
0x89: {  	s3 =	sld [smem:$0x3FFE];
	_ =	sdelay $0x1  }
0x8a: {  	s1 =	srdreg.scid  }
0x8b: {  	s0 =	sand.u32 $0x1, s1  }
0x8c: {  	s16 =	sshll.u32 s0, $0xA;
	s2 =	sadd.s32 s3, s2  }
0x8d: {  	s2 =	sadd.s32 s2, s16  }
0x8e: {  	[smem:$0x3FB7] =	sst s2  }
0x8f: {  	_ = 	snop  }
0x90: {  	(tm) =	ssettm $0x1  }
0x91: {  	s17 =	sld [smem:$0x3FFB];
	_ =	sdelay $0x3  }
0x92: {  	_ =	strace s17  }
0x93: {  	s2 =	sld [smem:$0x3FFC];
	_ =	sdelay $0x3  }
0x94: {  	_ =	strace s2  }
0x95: {  	s2 =	sld [smem:$0x3FFD];
	_ =	sdelay $0x3  }
0x96: {  	_ =	strace s2  }
0x97: {  	_ =	strace $0x8FFFFFFF  }
0x98: {  	s18 =	sld [smem:$0x3FDB];
	_ =	sdelay $0x1  }
0x99: {  	s19 =	simm.s32 $_scs_section_size  }
0x9a: {  	s4 =	simm.s32 $_size__tile_overlayer_lowered;
	s5 =	simm.s32 $_tile_overlayer_lowered  }
0x9b: {  	s22 =	simm.s32 $0x1BFF;
	s21 =	sshll.u32 s5, $0x1;
	s2 =	sadd.s32 s19, s18  }
0x9c: {  	s6 =	simm.s32 $0x0;
	s20 =	sshll.u32 s4, $0x1;
	s4 =	sadd.s32 s21, s2  }
0x9d: {  	[timem:s6], [sflag:s22] =	dma.local [hbm:s4], s20  }
0x9e: {  	_ =	swait.ge [sflag:s22], s20  }
0x9f: {  	s3 =	ssub.s32 $0x0, s20;
	[sflag:s22] =	ssyncset.done $0x0  }
0xa0: {  	[sflag:s22] =	ssyncadd.s32 s3;
	_ =	sdelay $0x1  }
0xa1: {  	s23 =	simm.s32 $0x1B8B  }
0xa2: {  	_ =	swait.ge [sflag:s23], $0x1  }
0xa3: {  	[sflag:s23] =	ssyncset.done $0x0  }
0xa4: {  	s25 =	simm.s32 $0x1B8E;
	s24 =	sld [smem:$0x3FFE];
	[sflag:s23] =	ssyncadd.s32 $0xFFFFFFFF  }
0xa5: {  	s26 =	simm.s32 $execute0_lowered;
	[smem:$0x3FD2] =	sst s25  }
0xa6: {  	s4 =	sshll.u32 s26, $0x1;
	_ =	strace $0x80000046;
	[dreg:$0x1] =	wrdreg $0xFFFFFFFF  }
0xa7: {  	s28 =	simm.s32 $_size_execute0_lowered;
	s2 =	sadd.s32 s2, s4;
	[dreg:$0x0] =	wrdreg $0x0  }
0xa8: {  	s4 =	sshll.u32 s28, $0x1;
	[dreg:$0x2] =	wrdreg s2  }
0xa9: {  	[dreg:$0x3] =	wrdreg s4  }
0xaa: {  	[dreg:$0x4] =	wrdreg $0xC0  }
0xab: {  	_ =	task [dreg:s6], $0x5FFFF  }
0xac: {  	[dreg:$0x1] =	wrdreg $0xFFFFFFFF  }
0xad: {  	[dreg:$0x0] =	wrdreg $0x60  }
0xae: {  	[dreg:$0x2] =	wrdreg s24  }
0xaf: {  	[dreg:$0x3] =	wrdreg $0x9  }
0xb0: {  	_ =	task.clear_ibuf [dreg:s6], $0x4FFFF;
	_ =	strace $0x90000046  }
0xb1: {  	s29 =	simm.s32 $0x9;
	_ =	strace $0x80000048  }
0xb2: {  	_ =	swait.ge [sflag:s29], $0x1  }
0xb3: {  	[sflag:s29] =	ssyncadd.s32 $0xFFFFFFFF  }
0xb4: {  	_ =	strace $0x90000048  }
0xb5: {  	_ =	sfence  }
0xb6: {  	s30 =	sld [smem:$0x0];
	_ =	sdelay $0x2  }
0xb7: {  	s31 =	sshll.u32 s1, $0xD;
	s1 =	sshrl.u32 s1, $0x2  }
0xb8: {  	s3 =	sand.u32 $0x4000, s31;
	s1 =	sadd.s32 s1, s30  }
0xb9: {  	s0 =	sor.u32 s3, s0;
	s1 =	sshll.u32 s1, $0x11  }
0xba: {  	s0 =	sor.u32 s1, s0  }
0xbb: {  	s0 =	sadd.s32 $0x8F2B, s0  }
0xbc: {  	[sflag:s0] =	ssyncadd.remote.s32 $0x1  }
0xbd: {  	_ =	sfence.sel $0xFFFF  }
0xbe: {  	[dreg:$0x0] =	wrdreg $0xFFFFFFFF;
	(pc) =	sbr.abs _section_cstart, $3  }
0xbf: {  	[dreg:$0x1] =	wrdreg $0xFFFFFFFF  }
0xc0: {  	_ =	task.clear_ibuf [dreg:s6], $0x2FFFF;
	_ =	strace $0x9FFFFFFF  }
0xc1: {  	(tm) =	ssettm $0x7FFFFFFF  }
tec
execute0_lowered:
.L_overlay_start_1:
0x0: {  	(tag) =	ssettag $0x1  }
0x1: {  	s0 =	rddreg [dreg:$0x0]  }
0x2: {  	s2 =	simm.s32 $0x0;
	s1 =	srdreg.scid;
	s6 =	stileid.u32  }
0x3: {  	s8 =	simm.s32 $0x80;
	s9 =	simm.s32 $0x500;
	s10 =	simm.s32 $0xD00  }
0x4: {  	s11 =	simm.s32 $0x100;
	s12 =	simm.s32 $0x1500;
	s13 =	simm.s32 $0x180  }
0x5: {  	s14 =	simm.s32 $0x1D00;
	s15 =	simm.s32 $0x200;
	s16 =	simm.s32 $0x2500  }
0x6: {  	s17 =	simm.s32 $0x280;
	s18 =	simm.s32 $0x2D00;
	s19 =	simm.s32 $0x300  }
0x7: {  	s20 =	simm.s32 $0x3500;
	s21 =	simm.s32 $0x380;
	s22 =	simm.s32 $0x3D00  }
0x8: {  	s23 =	simm.s32 $0x400;
	s24 =	simm.s32 $0x4500;
	s25 =	simm.s32 $0x480  }
0x9: {  	s26 =	simm.s32 $0x4D00;
	s28 =	simm.s32 $0x1;
	s4 =	smul.u32 $0xA000, s6  }
0xa: {  	s29 =	simm.s32 $0x0;
	s1 =	sand.u32 $0x1, s1;
	s6 =	smul.u32 $0x14000, s6  }
0xb: {  	[smem:$0x7FF] =	sst s2;
	s3 =	sadd.s32 $0x16C00, s0;
	s5 =	smul.u32 $0x5000, s1  }
0xc: {  	_ =	strace $0x80000047;
	s7 =	ssub.s32 $0x2, s1;
	s1 =	smul.u32 $0xA000, s1  }
0xd: {  	s30 =	sshrl.u32 s7, $0x1;
	s6 =	sadd.s32 s6, s0;
	s4 =	sadd.s32 s5, s4  }
0xe: {  	s5 =	ssub.s32 s7, s30;
	s1 =	sadd.s32 s1, s6;
	s4 =	sshrl.u32 s4, $0x3  }
0xf: {  	s7 =	simm.s32 $0x2;
	s31 =	smax.u32 s5, $0x1;
	s0 =	sadd.s32 s4, s0  }
0x10: {  	s5 =	sadd.s32 $0x3AC00, s1;
	[dreg:$0x2] =	wrdreg s31;
	s6 =	sadd.s32 $0x26C00, s0  }
.LBB2_1:
0x11: {  	s0 =	sadd.s32 $0x0, s6  }
0x12: {  	[tilespmem:s2], [sflag:$0x2] =	stream.linear.gather [hbm4b:s0+s2], $0x500, $0x38;
	[tilespmem:$0x5500] =	vst v63  }
0x13: {  	_ =	swait.ge [sflag:s7], $0x500  }
0x14: {  	[sflag:s7] =	ssyncset.done $0x0  }
0x15: {  	[sflag:s7] =	ssyncadd.s32 $0xFFFFFB00  }
0x16: {  	[tilespmem:s9], [sflag:$0x1] =	stream.indirect.gather [hbm4b:s3+s8], $0x10, s2, s8, $0xb8;
	[tilespmem:$0x5500] =	vst v63  }
0x17: {  	_ = 	snop  }
0x18: {  	[tilespmem:s10], [sflag:$0x1] =	stream.indirect.gather [hbm4b:s3+s8], $0x10, s8, s8, $0xb8;
	[tilespmem:$0x5500] =	vst v63  }
0x19: {  	_ = 	snop  }
0x1a: {  	[tilespmem:s12], [sflag:$0x1] =	stream.indirect.gather [hbm4b:s3+s8], $0x10, s11, s8, $0xb8;
	[tilespmem:$0x5500] =	vst v63  }
0x1b: {  	_ = 	snop  }
0x1c: {  	[tilespmem:s14], [sflag:$0x1] =	stream.indirect.gather [hbm4b:s3+s8], $0x10, s13, s8, $0xb8;
	[tilespmem:$0x5500] =	vst v63  }
0x1d: {  	_ = 	snop  }
0x1e: {  	[tilespmem:s16], [sflag:$0x1] =	stream.indirect.gather [hbm4b:s3+s8], $0x10, s15, s8, $0xb8;
	[tilespmem:$0x5500] =	vst v63  }
0x1f: {  	_ = 	snop  }
0x20: {  	[tilespmem:s18], [sflag:$0x1] =	stream.indirect.gather [hbm4b:s3+s8], $0x10, s17, s8, $0xb8;
	[tilespmem:$0x5500] =	vst v63  }
0x21: {  	_ = 	snop  }
0x22: {  	[tilespmem:s20], [sflag:$0x1] =	stream.indirect.gather [hbm4b:s3+s8], $0x10, s19, s8, $0xb8;
	[tilespmem:$0x5500] =	vst v63  }
0x23: {  	_ = 	snop  }
0x24: {  	[tilespmem:s22], [sflag:$0x1] =	stream.indirect.gather [hbm4b:s3+s8], $0x10, s21, s8, $0xb8;
	[tilespmem:$0x5500] =	vst v63  }
0x25: {  	_ = 	snop  }
0x26: {  	[tilespmem:s24], [sflag:$0x1] =	stream.indirect.gather [hbm4b:s3+s8], $0x10, s23, s8, $0xb8;
	[tilespmem:$0x5500] =	vst v63  }
0x27: {  	_ = 	snop  }
0x28: {  	[tilespmem:s26], [sflag:$0x1] =	stream.indirect.gather [hbm4b:s3+s8], $0x10, s25, s8, $0xb8;
	[tilespmem:$0x5500] =	vst v63  }
0x29: {  	_ =	swait.ge [sflag:s28], $0x800  }
0x2a: {  	[sflag:s28] =	ssyncset.done $0x0  }
0x2b: {  	[sflag:s28] =	ssyncadd.s32 $0xFFFFF800  }
0x2c: {  	_ =	swait.ge [sflag:s28], $0x800  }
0x2d: {  	[sflag:s28] =	ssyncset.done $0x0  }
0x2e: {  	[sflag:s28] =	ssyncadd.s32 $0xFFFFF800  }
0x2f: {  	_ =	swait.ge [sflag:s28], $0x800  }
0x30: {  	[sflag:s28] =	ssyncset.done $0x0  }
0x31: {  	[sflag:s28] =	ssyncadd.s32 $0xFFFFF800  }
0x32: {  	_ =	swait.ge [sflag:s28], $0x800  }
0x33: {  	[sflag:s28] =	ssyncset.done $0x0  }
0x34: {  	[sflag:s28] =	ssyncadd.s32 $0xFFFFF800  }
0x35: {  	_ =	swait.ge [sflag:s28], $0x800  }
0x36: {  	[sflag:s28] =	ssyncset.done $0x0  }
0x37: {  	[sflag:s28] =	ssyncadd.s32 $0xFFFFF800  }
0x38: {  	_ =	swait.ge [sflag:s28], $0x800  }
0x39: {  	[sflag:s28] =	ssyncset.done $0x0  }
0x3a: {  	[sflag:s28] =	ssyncadd.s32 $0xFFFFF800  }
0x3b: {  	_ =	swait.ge [sflag:s28], $0x800  }
0x3c: {  	[sflag:s28] =	ssyncset.done $0x0  }
0x3d: {  	[sflag:s28] =	ssyncadd.s32 $0xFFFFF800  }
0x3e: {  	_ =	swait.ge [sflag:s28], $0x800  }
0x3f: {  	[sflag:s28] =	ssyncset.done $0x0  }
0x40: {  	[sflag:s28] =	ssyncadd.s32 $0xFFFFF800  }
0x41: {  	_ =	swait.ge [sflag:s28], $0x800  }
0x42: {  	[sflag:s28] =	ssyncset.done $0x0  }
0x43: {  	[sflag:s28] =	ssyncadd.s32 $0xFFFFF800  }
0x44: {  	_ =	swait.ge [sflag:s28], $0x800  }
0x45: {  	[sflag:s28] =	ssyncset.done $0x0  }
0x46: {  	[sflag:s28] =	ssyncadd.s32 $0xFFFFF800  }
0x47: {  	[hbm4b:s5+s2] =	stream.linear.scatter [tilespmem:s9], [sflag:$0x2], $0x5000, $0x38;
	[tilespmem:$0x5500] =	vst v63  }
0x48: {  	s31 =	simm.s32 $0xA0;
	_ =	swait.ge [sflag:s7], $0x5000  }
0x49: {  	s30 =	sadd.s32 $0xA00, s5;
	s0 =	simm.s32 $0x140;
	[sflag:s7] =	ssyncset.done $0x0  }
.LBB2_2:
0x4a: {  	s4 =	sadd.s32 s31, s6  }
0x4b: {  	[sflag:s7] =	ssyncadd.s32 $0xFFFFB000;
	s31 =	smov.u32 s0;
	s1 =	sadd.s32 $0xA0, s0  }
0x4c: {  	[tilespmem:s2], [sflag:$0x2] =	stream.linear.gather [hbm4b:s4+s2], $0x500, $0x38;
	[tilespmem:$0x5500] =	vst v63  }
0x4d: {  	p0 =	sne.s32 s0, $0x960;
	_ =	swait.ge [sflag:s7], $0x500  }
0x4e: {  	[sflag:s7] =	ssyncset.done $0x0  }
0x4f: {  	[sflag:s7] =	ssyncadd.s32 $0xFFFFFB00  }
0x50: {  	[tilespmem:s9], [sflag:$0x1] =	stream.indirect.gather [hbm4b:s3+s8], $0x10, s2, s8, $0xb8;
	[tilespmem:$0x5500] =	vst v63  }
0x51: {  	_ = 	snop  }
0x52: {  	[tilespmem:s10], [sflag:$0x1] =	stream.indirect.gather [hbm4b:s3+s8], $0x10, s8, s8, $0xb8;
	[tilespmem:$0x5500] =	vst v63  }
0x53: {  	_ = 	snop  }
0x54: {  	[tilespmem:s12], [sflag:$0x1] =	stream.indirect.gather [hbm4b:s3+s8], $0x10, s11, s8, $0xb8;
	[tilespmem:$0x5500] =	vst v63  }
0x55: {  	_ = 	snop  }
0x56: {  	[tilespmem:s14], [sflag:$0x1] =	stream.indirect.gather [hbm4b:s3+s8], $0x10, s13, s8, $0xb8;
	[tilespmem:$0x5500] =	vst v63  }
0x57: {  	_ = 	snop  }
0x58: {  	[tilespmem:s16], [sflag:$0x1] =	stream.indirect.gather [hbm4b:s3+s8], $0x10, s15, s8, $0xb8;
	[tilespmem:$0x5500] =	vst v63  }
0x59: {  	_ = 	snop  }
0x5a: {  	[tilespmem:s18], [sflag:$0x1] =	stream.indirect.gather [hbm4b:s3+s8], $0x10, s17, s8, $0xb8;
	[tilespmem:$0x5500] =	vst v63  }
0x5b: {  	_ = 	snop  }
0x5c: {  	[tilespmem:s20], [sflag:$0x1] =	stream.indirect.gather [hbm4b:s3+s8], $0x10, s19, s8, $0xb8;
	[tilespmem:$0x5500] =	vst v63  }
0x5d: {  	_ = 	snop  }
0x5e: {  	[tilespmem:s22], [sflag:$0x1] =	stream.indirect.gather [hbm4b:s3+s8], $0x10, s21, s8, $0xb8;
	[tilespmem:$0x5500] =	vst v63  }
0x5f: {  	_ = 	snop  }
0x60: {  	[tilespmem:s24], [sflag:$0x1] =	stream.indirect.gather [hbm4b:s3+s8], $0x10, s23, s8, $0xb8;
	[tilespmem:$0x5500] =	vst v63  }
0x61: {  	_ = 	snop  }
0x62: {  	[tilespmem:s26], [sflag:$0x1] =	stream.indirect.gather [hbm4b:s3+s8], $0x10, s25, s8, $0xb8;
	[tilespmem:$0x5500] =	vst v63  }
0x63: {  	_ =	swait.ge [sflag:s28], $0x800  }
0x64: {  	[sflag:s28] =	ssyncset.done $0x0  }
0x65: {  	[sflag:s28] =	ssyncadd.s32 $0xFFFFF800  }
0x66: {  	_ =	swait.ge [sflag:s28], $0x800  }
0x67: {  	[sflag:s28] =	ssyncset.done $0x0  }
0x68: {  	[sflag:s28] =	ssyncadd.s32 $0xFFFFF800  }
0x69: {  	_ =	swait.ge [sflag:s28], $0x800  }
0x6a: {  	[sflag:s28] =	ssyncset.done $0x0  }
0x6b: {  	[sflag:s28] =	ssyncadd.s32 $0xFFFFF800  }
0x6c: {  	_ =	swait.ge [sflag:s28], $0x800  }
0x6d: {  	[sflag:s28] =	ssyncset.done $0x0  }
0x6e: {  	[sflag:s28] =	ssyncadd.s32 $0xFFFFF800  }
0x6f: {  	_ =	swait.ge [sflag:s28], $0x800  }
0x70: {  	[sflag:s28] =	ssyncset.done $0x0  }
0x71: {  	[sflag:s28] =	ssyncadd.s32 $0xFFFFF800  }
0x72: {  	_ =	swait.ge [sflag:s28], $0x800  }
0x73: {  	[sflag:s28] =	ssyncset.done $0x0  }
0x74: {  	[sflag:s28] =	ssyncadd.s32 $0xFFFFF800  }
0x75: {  	_ =	swait.ge [sflag:s28], $0x800  }
0x76: {  	[sflag:s28] =	ssyncset.done $0x0  }
0x77: {  	[sflag:s28] =	ssyncadd.s32 $0xFFFFF800  }
0x78: {  	_ =	swait.ge [sflag:s28], $0x800  }
0x79: {  	[sflag:s28] =	ssyncset.done $0x0  }
0x7a: {  	[sflag:s28] =	ssyncadd.s32 $0xFFFFF800  }
0x7b: {  	_ =	swait.ge [sflag:s28], $0x800  }
0x7c: {  	[sflag:s28] =	ssyncset.done $0x0  }
0x7d: {  	[sflag:s28] =	ssyncadd.s32 $0xFFFFF800  }
0x7e: {  	_ =	swait.ge [sflag:s28], $0x800  }
.Ltmp0:
0x7f: {  	[sflag:s28] =	ssyncset.done $0x0;
	(pc) =	sbr.rel @p0 .LBB2_2-.Ltmp0, $4  }
0x80: {  	[sflag:s28] =	ssyncadd.s32 $0xFFFFF800  }
0x81: {  	[hbm4b:s30+s2] =	stream.linear.scatter [tilespmem:s9], [sflag:$0x2], $0x5000, $0x38;
	[tilespmem:$0x5500] =	vst v63  }
0x82: {  	_ =	swait.ge [sflag:s7], $0x5000  }
0x83: {  	s0 =	smov.u32 s1;
	s30 =	sadd.s32 $0xA00, s30;
	[sflag:s7] =	ssyncset.done $0x0  }
0x84: {  	s0 =	sadd.s32 s31, s6;
	[sflag:s7] =	ssyncadd.s32 $0xFFFFB000  }
0x85: {  	[tilespmem:s2], [sflag:$0x2] =	stream.linear.gather [hbm4b:s0+s2], $0x500, $0x38;
	[tilespmem:$0x5500] =	vst v63  }
0x86: {  	_ =	swait.ge [sflag:s7], $0x500  }
0x87: {  	[sflag:s7] =	ssyncset.done $0x0  }
0x88: {  	[sflag:s7] =	ssyncadd.s32 $0xFFFFFB00  }
0x89: {  	[tilespmem:s9], [sflag:$0x1] =	stream.indirect.gather [hbm4b:s3+s8], $0x10, s2, s8, $0xb8;
	[tilespmem:$0x5500] =	vst v63  }
0x8a: {  	_ = 	snop  }
0x8b: {  	[tilespmem:s10], [sflag:$0x1] =	stream.indirect.gather [hbm4b:s3+s8], $0x10, s8, s8, $0xb8;
	[tilespmem:$0x5500] =	vst v63  }
0x8c: {  	_ = 	snop  }
0x8d: {  	[tilespmem:s12], [sflag:$0x1] =	stream.indirect.gather [hbm4b:s3+s8], $0x10, s11, s8, $0xb8;
	[tilespmem:$0x5500] =	vst v63  }
0x8e: {  	_ = 	snop  }
0x8f: {  	[tilespmem:s14], [sflag:$0x1] =	stream.indirect.gather [hbm4b:s3+s8], $0x10, s13, s8, $0xb8;
	[tilespmem:$0x5500] =	vst v63  }
0x90: {  	_ = 	snop  }
0x91: {  	[tilespmem:s16], [sflag:$0x1] =	stream.indirect.gather [hbm4b:s3+s8], $0x10, s15, s8, $0xb8;
	[tilespmem:$0x5500] =	vst v63  }
0x92: {  	_ = 	snop  }
0x93: {  	[tilespmem:s18], [sflag:$0x1] =	stream.indirect.gather [hbm4b:s3+s8], $0x10, s17, s8, $0xb8;
	[tilespmem:$0x5500] =	vst v63  }
0x94: {  	_ = 	snop  }
0x95: {  	[tilespmem:s20], [sflag:$0x1] =	stream.indirect.gather [hbm4b:s3+s8], $0x10, s19, s8, $0xb8;
	[tilespmem:$0x5500] =	vst v63  }
0x96: {  	_ = 	snop  }
0x97: {  	[tilespmem:s22], [sflag:$0x1] =	stream.indirect.gather [hbm4b:s3+s8], $0x10, s21, s8, $0xb8;
	[tilespmem:$0x5500] =	vst v63  }
0x98: {  	_ = 	snop  }
0x99: {  	[tilespmem:s24], [sflag:$0x1] =	stream.indirect.gather [hbm4b:s3+s8], $0x10, s23, s8, $0xb8;
	[tilespmem:$0x5500] =	vst v63  }
0x9a: {  	_ = 	snop  }
0x9b: {  	[tilespmem:s26], [sflag:$0x1] =	stream.indirect.gather [hbm4b:s3+s8], $0x10, s25, s8, $0xb8;
	[tilespmem:$0x5500] =	vst v63  }
0x9c: {  	_ =	swait.ge [sflag:s28], $0x800  }
0x9d: {  	[sflag:s28] =	ssyncset.done $0x0  }
0x9e: {  	[sflag:s28] =	ssyncadd.s32 $0xFFFFF800  }
0x9f: {  	_ =	swait.ge [sflag:s28], $0x800  }
0xa0: {  	[sflag:s28] =	ssyncset.done $0x0  }
0xa1: {  	[sflag:s28] =	ssyncadd.s32 $0xFFFFF800  }
0xa2: {  	_ =	swait.ge [sflag:s28], $0x800  }
0xa3: {  	[sflag:s28] =	ssyncset.done $0x0  }
0xa4: {  	[sflag:s28] =	ssyncadd.s32 $0xFFFFF800  }
0xa5: {  	_ =	swait.ge [sflag:s28], $0x800  }
0xa6: {  	[sflag:s28] =	ssyncset.done $0x0  }
0xa7: {  	[sflag:s28] =	ssyncadd.s32 $0xFFFFF800  }
0xa8: {  	_ =	swait.ge [sflag:s28], $0x800  }
0xa9: {  	[sflag:s28] =	ssyncset.done $0x0  }
0xaa: {  	[sflag:s28] =	ssyncadd.s32 $0xFFFFF800  }
0xab: {  	_ =	swait.ge [sflag:s28], $0x800  }
0xac: {  	[sflag:s28] =	ssyncset.done $0x0  }
0xad: {  	[sflag:s28] =	ssyncadd.s32 $0xFFFFF800  }
0xae: {  	_ =	swait.ge [sflag:s28], $0x800  }
0xaf: {  	[sflag:s28] =	ssyncset.done $0x0  }
0xb0: {  	[sflag:s28] =	ssyncadd.s32 $0xFFFFF800  }
0xb1: {  	_ =	swait.ge [sflag:s28], $0x800  }
0xb2: {  	[sflag:s28] =	ssyncset.done $0x0  }
0xb3: {  	[sflag:s28] =	ssyncadd.s32 $0xFFFFF800  }
0xb4: {  	_ =	swait.ge [sflag:s28], $0x800  }
0xb5: {  	[sflag:s28] =	ssyncset.done $0x0  }
0xb6: {  	[sflag:s28] =	ssyncadd.s32 $0xFFFFF800  }
0xb7: {  	_ =	swait.ge [sflag:s28], $0x800  }
0xb8: {  	[sflag:s28] =	ssyncset.done $0x0  }
0xb9: {  	[sflag:s28] =	ssyncadd.s32 $0xFFFFF800  }
0xba: {  	[hbm4b:s30+s2] =	stream.linear.scatter [tilespmem:s9], [sflag:$0x2], $0x5000, $0x38;
	[tilespmem:$0x5500] =	vst v63  }
0xbb: {  	_ =	swait.ge [sflag:s7], $0x5000  }
0xbc: {  	s29 =	sadd.s32 $0x1, s29;
	s31 =	rddreg [dreg:$0x2]  }
0xbd: {  	p0 =	sne.s32 s29, s31  }
.Ltmp1:
0xbe: {  	_ = 	snop;
	(pc) =	sbr.rel @p0 .LBB2_1-.Ltmp1, $3  }
0xbf: {  	_ =	sdelay $0x1  }
0xc0: {  	[sflag:s7] =	ssyncset.done $0x0  }
0xc1: {  	[sflag:s7] =	ssyncadd.s32 $0xFFFFB000  }
0xc2: {  	_ =	sfence.sel $0x180000  }
0xc3: {  	[bflag:$0x0] =	sbarrier.arrive $0xFFFF  }
0xc4: {  	_ =	strace $0x90000047  }
0xc5: {  	s0 =	stileid.u32;
	[bflag:$0x2] =	sbarrier.arrive $0xFFFF  }
0xc6: {  	p0 =	sne.s32 s0, $0x0;
	s0 =	rddreg [dreg:$0x1]  }
0xc7: {  	s0 =	sadd.s32 @!p0 $0x100000, s0  }
0xc8: {  	[sflag:s0] =	ssyncadd.tile.s32 @!p0 $0x1;
	_ =	shalt  }
.Lfunc_end2:
_tile_overlayer_lowered:
.L_overlay_start_2:
0xc9: {  	(tag) =	ssettag $0x2  }
0xca: {  	s0 =	rddreg [dreg:$0x0];
	s2 =	stileid.u32  }
0xcb: {  	s1 =	rddreg [dreg:$0x1];
	p0 =	sne.s32 s2, $0x0  }
0xcc: {  	s3 =	rddreg [dreg:$0x2];
	[bflag:$0x3] =	sbarrier.arrive $0xFFFF;
	s2 =	simm.s32 @!p0 $0x1C02  }
0xcd: {  	[timem:s3], [sflag:s2] =	dma.local @!p0 [hbm:s0], s1  }
0xce: {  	s0 =	simm.s32 @!p0 $0x2  }
0xcf: {  	_ =	swait.ge @!p0 [sflag:s0], s1  }
0xd0: {  	s1 =	ssub.s32 @!p0 $0x0, s1;
	[sflag:s0] =	ssyncset.done @!p0 $0x0  }
0xd1: {  	[sflag:s0] =	ssyncadd.s32 @!p0 s1  }
0xd2: {  	[bflag:$0x3] =	sbarrier.arrive $0xFFFF  }
0xd3: {  	_ =	shalt  }

// kernel: kernel.16.cloned.1.call-start
scs
__scs_entry_jumppad:
0x0: {  	(pc) =	sbr.rel $0x88, $3  }
0x1: {  	(tag) =	ssettag $0x0;
	lr =	simm.s32 $0x1  }
0x2: {  	[smem:$0x3F90] =	sst lr;
	_ =	strace $0xD0000000  }
0x3: {  	_ = 	snop  }
0x4: {  	_ = 	snop  }
0x5: {  	_ = 	snop  }
0x6: {  	_ = 	snop  }
0x7: {  	_ = 	snop  }
__scs_overlays_trampoline_lowered:
0x8: {  	[smem:$0x3F9F] =	sst s0  }
0x9: {  	[smem:$0x3FA0] =	sst s1  }
0xa: {  	[smem:$0x3FA1] =	sst s2  }
0xb: {  	[smem:$0x3FA2] =	sst s3  }
0xc: {  	[smem:$0x3FA3] =	sst s4  }
0xd: {  	[smem:$0x3FA4] =	sst s5  }
0xe: {  	[smem:$0x3FA5] =	sst s6  }
0xf: {  	[smem:$0x3FA6] =	sst s7  }
0x10: {  	[smem:$0x3FA7] =	sst s8  }
0x11: {  	[smem:$0x3FA8] =	sst s9;
	s0 =	simm.s32 @!p0 $0x0  }
0x12: {  	s1 =	sld [smem:$0x3F8E];
	s0 =	simm.s32 @p0 $0x1  }
0x13: {  	[smem:$0x3FA9] =	sst s0;
	s0 =	simm.s32 @!p1 $0x0  }
0x14: {  	s2 =	sld [smem:$0x3F8D];
	s0 =	simm.s32 @p1 $0x1  }
0x15: {  	[smem:$0x3FAA] =	sst s0;
	s0 =	simm.s32 @!p2 $0x0  }
0x16: {  	s3 =	sld [smem:$0x3FDB];
	s0 =	simm.s32 @p2 $0x1  }
0x17: {  	s4 =	simm.s32 $0x1BF5;
	[smem:$0x3FAC] =	sst s0  }
0x18: {  	s0 =	sld [smem:$0x3F8F];
	_ =	swait.ge [sflag:s4], $0x0  }
0x19: {  	s7 =	sld [smem:$0x3F90]  }
0x1a: {  	s8 =	sadd.s32 $0xFFFFE003, lr  }
0x1b: {  	s9 =	sadd.s32 $0xFFFFFEF7, lr;
	s5 =	simm.s32 $0xFFFFFFFF;
	p2 =	slt.u32 s8, $0xFFFFF086  }
0x1c: {  	p1 =	slt.u32 s9, $0xF7A;
	s5 =	simm.s32 @!p2 $0x0  }
0x1d: {  	s5 =	simm.s32 @p1 $0x1;
	p0 =	seq.s32 s7, s2  }
0x1e: {  	s7 =	smul.u32 @!p0 $0xF7A, s2;
	p2 =	seq.s32 @!p0 s5, $0x0  }
0x1f: {  	s9 =	smul.u32 $0xF7A, s1;
	s8 =	simm.s32 @!p0 $0x1BF5;
	p2 =	por !p2, p0  }
0x20: {  	[sflag:s8] =	ssyncset.s32 @!p0 $0xFFFFF086;
	s6 =	sadd.s32 @!p0 s3, s7;
	s7 =	simm.s32 @!p0 $0x108  }
0x21: {  	s3 =	sadd.s32 s3, s9;
	s6 =	sadd.s32 @!p0 $0x88, s6;
	s7 =	simm.s32 @p2 $0x1082  }
0x22: {  	[simem:s7], [sflag:s8] =	dma.local @!p0 [hbm:s6], $0xF7A  }
0x23: {  	s9 =	sor.u32 $0xD0000000, s2;
	s6 =	simm.s32 $0x108;
	_ =	swait.ge @!p0 [sflag:s8], $0x0  }
0x24: {  	s3 =	sadd.s32 $0x88, s3;
	s6 =	simm.s32 @!p1 $0x1082;
	[sflag:s4] =	ssyncset.s32 $0xFFFFF086  }
0x25: {  	[simem:s6], [sflag:s4] =	dma.local [hbm:s3], $0xF7A  }
0x26: {  	[smem:$0x3F90] =	sst s1;
	(tag) =	ssettag s2;
	_ =	strace s9  }
0x27: {  	s1 =	sld [smem:$0x3FA0]  }
0x28: {  	s2 =	sld [smem:$0x3FA1]  }
0x29: {  	s4 =	sld [smem:$0x3FA3]  }
0x2a: {  	p0 =	seq.s32 s5, $0x0;
	s5 =	sld [smem:$0x3FA4]  }
0x2b: {  	s6 =	sld [smem:$0x3FA5]  }
0x2c: {  	s7 =	sld [smem:$0x3FA6]  }
0x2d: {  	s3 =	simm.s32 $0x108;
	s8 =	sld [smem:$0x3FA7]  }
0x2e: {  	s3 =	simm.s32 @!p0 $0x1082;
	s9 =	sld [smem:$0x3FA8]  }
0x2f: {  	lr =	sadd.s32 s0, s3;
	s0 =	sld [smem:$0x3F9F]  }
0x30: {  	s3 =	sld [smem:$0x3FA2]  }
0x31: {  	[smem:$0x3FAB] =	sst s10  }
0x32: {  	s10 =	sld [smem:$0x3FA9];
	_ =	sdelay $0x3  }
0x33: {  	p0 =	seq.s32 s10, $0x1;
	s10 =	sld [smem:$0x3FAB];
	_ =	sdelay $0x3  }
0x34: {  	[smem:$0x3FAB] =	sst s10  }
0x35: {  	s10 =	sld [smem:$0x3FAA];
	_ =	sdelay $0x3  }
0x36: {  	p1 =	seq.s32 s10, $0x1;
	s10 =	sld [smem:$0x3FAB];
	_ =	sdelay $0x3  }
0x37: {  	[smem:$0x3FAB] =	sst s10  }
0x38: {  	s10 =	sld [smem:$0x3FAC]  }
0x39: {  	_ = 	snop;
	(pc) =	sbr.ind lr, $3  }
0x3a: {  	_ = 	snop  }
0x3b: {  	_ = 	snop  }
0x3c: {  	p2 =	seq.s32 s10, $0x1;
	s10 =	sld [smem:$0x3FAB]  }
0x3d: {  	_ =	shalt  }
0x3e: {  	_ =	shalt  }
0x3f: {  	_ =	shalt  }
0x40: {  	_ =	shalt  }
0x41: {  	_ =	shalt  }
0x42: {  	_ =	shalt  }
0x43: {  	_ =	shalt  }
0x44: {  	_ =	shalt  }
0x45: {  	_ =	shalt  }
0x46: {  	_ =	shalt  }
0x47: {  	_ =	shalt  }
0x48: {  	_ =	shalt  }
0x49: {  	_ =	shalt  }
0x4a: {  	_ =	shalt  }
0x4b: {  	_ =	shalt  }
0x4c: {  	_ =	shalt  }
0x4d: {  	_ =	shalt  }
0x4e: {  	_ =	shalt  }
0x4f: {  	_ =	shalt  }
0x50: {  	_ =	shalt  }
0x51: {  	_ =	shalt  }
0x52: {  	_ =	shalt  }
0x53: {  	_ =	shalt  }
0x54: {  	_ =	shalt  }
0x55: {  	_ =	shalt  }
0x56: {  	_ =	shalt  }
0x57: {  	_ =	shalt  }
0x58: {  	_ =	shalt  }
0x59: {  	_ =	shalt  }
0x5a: {  	_ =	shalt  }
0x5b: {  	_ =	shalt  }
0x5c: {  	_ =	shalt  }
0x5d: {  	_ =	shalt  }
0x5e: {  	_ =	shalt  }
0x5f: {  	_ =	shalt  }
0x60: {  	_ =	shalt  }
0x61: {  	_ =	shalt  }
0x62: {  	_ =	shalt  }
0x63: {  	_ =	shalt  }
0x64: {  	_ =	shalt  }
0x65: {  	_ =	shalt  }
0x66: {  	_ =	shalt  }
0x67: {  	_ =	shalt  }
0x68: {  	_ =	shalt  }
0x69: {  	_ =	shalt  }
0x6a: {  	_ =	shalt  }
0x6b: {  	_ =	shalt  }
0x6c: {  	_ =	shalt  }
0x6d: {  	_ =	shalt  }
0x6e: {  	_ =	shalt  }
0x6f: {  	_ =	shalt  }
0x70: {  	_ =	shalt  }
0x71: {  	_ =	shalt  }
0x72: {  	_ =	shalt  }
0x73: {  	_ =	shalt  }
0x74: {  	_ =	shalt  }
0x75: {  	_ =	shalt  }
0x76: {  	_ =	shalt  }
0x77: {  	_ =	shalt  }
0x78: {  	_ =	shalt  }
0x79: {  	_ =	shalt  }
0x7a: {  	_ =	shalt  }
0x7b: {  	_ =	shalt  }
0x7c: {  	_ =	shalt  }
0x7d: {  	_ =	shalt  }
0x7e: {  	_ =	shalt  }
0x7f: {  	_ =	shalt  }
0x80: {  	_ =	shalt  }
0x81: {  	_ =	shalt  }
0x82: {  	_ =	shalt  }
0x83: {  	_ =	shalt  }
0x84: {  	_ =	shalt  }
0x85: {  	_ =	shalt  }
0x86: {  	_ =	shalt  }
0x87: {  	_ =	shalt  }
.Lfunc_end0:
.L_simem_size_0:
called_computation.1_lowered:
.L_overlay_start_0:
0x88: {  	s2 =	sld [smem:$0x3FD9]  }
0x89: {  	s3 =	sld [smem:$0x3FFE];
	_ =	sdelay $0x1  }
0x8a: {  	s1 =	srdreg.scid  }
0x8b: {  	s0 =	sand.u32 $0x1, s1  }
0x8c: {  	s17 =	sshll.u32 s0, $0xA;
	s2 =	sadd.s32 s3, s2  }
0x8d: {  	s2 =	sadd.s32 s2, s17  }
0x8e: {  	[smem:$0x3FB7] =	sst s2  }
0x8f: {  	_ = 	snop  }
0x90: {  	s2 =	sld [smem:$0x3FD0];
	(tm) =	ssettm $0x1  }
0x91: {  	s18 =	sld [smem:$0x3FFB];
	_ =	sdelay $0x3  }
0x92: {  	_ =	strace s18  }
0x93: {  	s3 =	sld [smem:$0x3FFC];
	_ =	sdelay $0x3  }
0x94: {  	_ =	strace s3  }
0x95: {  	s3 =	sld [smem:$0x3FFD];
	_ =	sdelay $0x3  }
0x96: {  	_ =	strace s3  }
0x97: {  	_ =	strace $0x8FFFFFFF  }
0x98: {  	s19 =	sld [smem:$0x3FDB];
	_ =	sdelay $0x1  }
0x99: {  	s4 =	simm.s32 $_scs_section_size  }
0x9a: {  	s5 =	simm.s32 $_size__tile_overlayer_lowered;
	s6 =	simm.s32 $_tile_overlayer_lowered  }
0x9b: {  	s22 =	simm.s32 $0x1BFF;
	s21 =	sshll.u32 s6, $0x1;
	s3 =	sadd.s32 s4, s19  }
0x9c: {  	s7 =	simm.s32 $0x0;
	s20 =	sshll.u32 s5, $0x1;
	s5 =	sadd.s32 s21, s3  }
0x9d: {  	[timem:s7], [sflag:s22] =	dma.local [hbm:s5], s20  }
0x9e: {  	_ =	swait.ge [sflag:s22], s20  }
0x9f: {  	s4 =	ssub.s32 $0x0, s20;
	[sflag:s22] =	ssyncset.done $0x0  }
0xa0: {  	[sflag:s22] =	ssyncadd.s32 s4;
	_ =	sdelay $0x1  }
0xa1: {  	s23 =	simm.s32 $0x1B8B  }
0xa2: {  	_ =	swait.ge [sflag:s23], $0x1  }
0xa3: {  	[sflag:s23] =	ssyncset.done $0x0  }
0xa4: {  	s25 =	simm.s32 $0x1B8E;
	s24 =	sld [smem:$0x3FFE];
	[sflag:s23] =	ssyncadd.s32 $0xFFFFFFFF  }
0xa5: {  	s26 =	simm.s32 $execute0_lowered;
	[smem:$0x3FD2] =	sst s25  }
0xa6: {  	s5 =	sshll.u32 s26, $0x1;
	_ =	strace $0x80000049;
	[dreg:$0x1] =	wrdreg $0xFFFFFFFF  }
0xa7: {  	s28 =	simm.s32 $_size_execute0_lowered;
	s3 =	sadd.s32 s3, s5;
	[dreg:$0x0] =	wrdreg $0x0  }
0xa8: {  	s5 =	sshll.u32 s28, $0x1;
	[dreg:$0x2] =	wrdreg s3  }
0xa9: {  	[dreg:$0x3] =	wrdreg s5  }
0xaa: {  	[dreg:$0x4] =	wrdreg $0xC0  }
0xab: {  	_ =	task [dreg:s7], $0x5FFFF  }
0xac: {  	[dreg:$0x1] =	wrdreg $0xFFFFFFFF  }
0xad: {  	[dreg:$0x0] =	wrdreg $0x60  }
0xae: {  	[dreg:$0x2] =	wrdreg s2  }
0xaf: {  	[dreg:$0x3] =	wrdreg s24  }
0xb0: {  	[dreg:$0x4] =	wrdreg $0x9  }
0xb1: {  	_ =	task.clear_ibuf [dreg:s7], $0x5FFFF;
	_ =	strace $0x90000049  }
0xb2: {  	s29 =	simm.s32 $0x9;
	_ =	strace $0x8000004B  }
0xb3: {  	_ =	swait.ge [sflag:s29], $0x1  }
0xb4: {  	[sflag:s29] =	ssyncadd.s32 $0xFFFFFFFF  }
0xb5: {  	_ =	strace $0x9000004B  }
0xb6: {  	_ =	sfence  }
0xb7: {  	s30 =	sld [smem:$0x0];
	_ =	sdelay $0x2  }
0xb8: {  	s31 =	sshll.u32 s1, $0xD;
	s1 =	sshrl.u32 s1, $0x2  }
0xb9: {  	s3 =	sand.u32 $0x4000, s31;
	s1 =	sadd.s32 s1, s30  }
0xba: {  	s0 =	sor.u32 s3, s0;
	s1 =	sshll.u32 s1, $0x11  }
0xbb: {  	s0 =	sor.u32 s1, s0  }
0xbc: {  	s0 =	sadd.s32 $0x8F2B, s0  }
0xbd: {  	[sflag:s0] =	ssyncadd.remote.s32 $0x1  }
0xbe: {  	_ =	sfence.sel $0xFFFF  }
0xbf: {  	[dreg:$0x0] =	wrdreg $0xFFFFFFFF;
	(pc) =	sbr.abs _section_cstart, $3  }
0xc0: {  	[dreg:$0x1] =	wrdreg $0xFFFFFFFF  }
0xc1: {  	_ =	task.clear_ibuf [dreg:s7], $0x2FFFF;
	_ =	strace $0x9FFFFFFF  }
0xc2: {  	(tm) =	ssettm $0x7FFFFFFF  }
0xc3: {  	_ =	shalt  }
tec
execute0_lowered:
.L_overlay_start_1:
0x0: {  	(tag) =	ssettag $0x1  }
0x1: {  	s2 =	rddreg [dreg:$0x0]  }
0x2: {  	s0 =	rddreg [dreg:$0x1]  }
0x3: {  	s1 =	srdreg.scid;
	s6 =	stileid.u32  }
0x4: {  	s3 =	simm.s32 $0x0;
	s8 =	simm.s32 $0x80;
	s9 =	simm.s32 $0x500  }
0x5: {  	s10 =	simm.s32 $0x2500;
	s11 =	simm.s32 $0x100;
	s12 =	simm.s32 $0x4500  }
0x6: {  	s13 =	simm.s32 $0x180;
	s14 =	simm.s32 $0x6500;
	s15 =	simm.s32 $0x200  }
0x7: {  	s16 =	simm.s32 $0x8500;
	s17 =	simm.s32 $0x280;
	s18 =	simm.s32 $0xA500  }
0x8: {  	s19 =	simm.s32 $0x300;
	s20 =	simm.s32 $0xC500;
	s21 =	simm.s32 $0x380  }
0x9: {  	s22 =	simm.s32 $0xE500;
	s23 =	simm.s32 $0x400;
	s24 =	simm.s32 $0x10500  }
0xa: {  	s25 =	simm.s32 $0x480;
	s26 =	simm.s32 $0x12500;
	s4 =	smul.u32 $0xA000, s6  }
0xb: {  	s28 =	simm.s32 $0x1;
	s1 =	sand.u32 $0x1, s1;
	s6 =	smul.u32 $0x50000, s6  }
0xc: {  	s29 =	simm.s32 $0x0;
	[smem:$0x7FF] =	sst s3;
	s5 =	smul.u32 $0x5000, s1  }
0xd: {  	_ =	strace $0x8000004A;
	s7 =	ssub.s32 $0x2, s1;
	s1 =	smul.u32 $0x28000, s1  }
0xe: {  	s30 =	sshrl.u32 s7, $0x1;
	s6 =	sadd.s32 s6, s0;
	s4 =	sadd.s32 s5, s4  }
0xf: {  	s5 =	ssub.s32 s7, s30;
	s1 =	sadd.s32 s1, s6;
	s4 =	sshrl.u32 s4, $0x3  }
0x10: {  	s7 =	simm.s32 $0x2;
	s31 =	smax.u32 s5, $0x1;
	s0 =	sadd.s32 s4, s0  }
0x11: {  	s5 =	sadd.s32 $0xAAC00, s1;
	[dreg:$0x3] =	wrdreg s31;
	s6 =	sadd.s32 $0x96C00, s0  }
.LBB2_1:
0x12: {  	s0 =	sadd.s32 $0x0, s6  }
0x13: {  	[tilespmem:s3], [sflag:$0x2] =	stream.linear.gather [hbm4b:s0+s3], $0x500, $0x38;
	[tilespmem:$0x14500] =	vst v63  }
0x14: {  	_ =	swait.ge [sflag:s7], $0x500  }
0x15: {  	[sflag:s7] =	ssyncset.done $0x0  }
0x16: {  	[sflag:s7] =	ssyncadd.s32 $0xFFFFFB00  }
0x17: {  	[tilespmem:s9], [sflag:$0x1] =	stream.indirect.gather [hbm4b:s2+s8], $0x40, s3, s8, $0xb8;
	[tilespmem:$0x14500] =	vst v63  }
0x18: {  	_ = 	snop  }
0x19: {  	[tilespmem:s10], [sflag:$0x1] =	stream.indirect.gather [hbm4b:s2+s8], $0x40, s8, s8, $0xb8;
	[tilespmem:$0x14500] =	vst v63  }
0x1a: {  	_ = 	snop  }
0x1b: {  	[tilespmem:s12], [sflag:$0x1] =	stream.indirect.gather [hbm4b:s2+s8], $0x40, s11, s8, $0xb8;
	[tilespmem:$0x14500] =	vst v63  }
0x1c: {  	_ = 	snop  }
0x1d: {  	[tilespmem:s14], [sflag:$0x1] =	stream.indirect.gather [hbm4b:s2+s8], $0x40, s13, s8, $0xb8;
	[tilespmem:$0x14500] =	vst v63  }
0x1e: {  	_ = 	snop  }
0x1f: {  	[tilespmem:s16], [sflag:$0x1] =	stream.indirect.gather [hbm4b:s2+s8], $0x40, s15, s8, $0xb8;
	[tilespmem:$0x14500] =	vst v63  }
0x20: {  	_ = 	snop  }
0x21: {  	[tilespmem:s18], [sflag:$0x1] =	stream.indirect.gather [hbm4b:s2+s8], $0x40, s17, s8, $0xb8;
	[tilespmem:$0x14500] =	vst v63  }
0x22: {  	_ = 	snop  }
0x23: {  	[tilespmem:s20], [sflag:$0x1] =	stream.indirect.gather [hbm4b:s2+s8], $0x40, s19, s8, $0xb8;
	[tilespmem:$0x14500] =	vst v63  }
0x24: {  	_ = 	snop  }
0x25: {  	[tilespmem:s22], [sflag:$0x1] =	stream.indirect.gather [hbm4b:s2+s8], $0x40, s21, s8, $0xb8;
	[tilespmem:$0x14500] =	vst v63  }
0x26: {  	_ = 	snop  }
0x27: {  	[tilespmem:s24], [sflag:$0x1] =	stream.indirect.gather [hbm4b:s2+s8], $0x40, s23, s8, $0xb8;
	[tilespmem:$0x14500] =	vst v63  }
0x28: {  	_ = 	snop  }
0x29: {  	[tilespmem:s26], [sflag:$0x1] =	stream.indirect.gather [hbm4b:s2+s8], $0x40, s25, s8, $0xb8;
	[tilespmem:$0x14500] =	vst v63  }
0x2a: {  	_ =	swait.ge [sflag:s28], $0x2000  }
0x2b: {  	[sflag:s28] =	ssyncset.done $0x0  }
0x2c: {  	[sflag:s28] =	ssyncadd.s32 $0xFFFFE000  }
0x2d: {  	_ =	swait.ge [sflag:s28], $0x2000  }
0x2e: {  	[sflag:s28] =	ssyncset.done $0x0  }
0x2f: {  	[sflag:s28] =	ssyncadd.s32 $0xFFFFE000  }
0x30: {  	_ =	swait.ge [sflag:s28], $0x2000  }
0x31: {  	[sflag:s28] =	ssyncset.done $0x0  }
0x32: {  	[sflag:s28] =	ssyncadd.s32 $0xFFFFE000  }
0x33: {  	_ =	swait.ge [sflag:s28], $0x2000  }
0x34: {  	[sflag:s28] =	ssyncset.done $0x0  }
0x35: {  	[sflag:s28] =	ssyncadd.s32 $0xFFFFE000  }
0x36: {  	_ =	swait.ge [sflag:s28], $0x2000  }
0x37: {  	[sflag:s28] =	ssyncset.done $0x0  }
0x38: {  	[sflag:s28] =	ssyncadd.s32 $0xFFFFE000  }
0x39: {  	_ =	swait.ge [sflag:s28], $0x2000  }
0x3a: {  	[sflag:s28] =	ssyncset.done $0x0  }
0x3b: {  	[sflag:s28] =	ssyncadd.s32 $0xFFFFE000  }
0x3c: {  	_ =	swait.ge [sflag:s28], $0x2000  }
0x3d: {  	[sflag:s28] =	ssyncset.done $0x0  }
0x3e: {  	[sflag:s28] =	ssyncadd.s32 $0xFFFFE000  }
0x3f: {  	_ =	swait.ge [sflag:s28], $0x2000  }
0x40: {  	[sflag:s28] =	ssyncset.done $0x0  }
0x41: {  	[sflag:s28] =	ssyncadd.s32 $0xFFFFE000  }
0x42: {  	_ =	swait.ge [sflag:s28], $0x2000  }
0x43: {  	[sflag:s28] =	ssyncset.done $0x0  }
0x44: {  	[sflag:s28] =	ssyncadd.s32 $0xFFFFE000  }
0x45: {  	_ =	swait.ge [sflag:s28], $0x2000  }
0x46: {  	[sflag:s28] =	ssyncset.done $0x0  }
0x47: {  	[sflag:s28] =	ssyncadd.s32 $0xFFFFE000  }
0x48: {  	[hbm4b:s5+s3] =	stream.linear.scatter [tilespmem:s9], [sflag:$0x2], $0x14000, $0x38;
	[tilespmem:$0x14500] =	vst v63  }
0x49: {  	s31 =	simm.s32 $0xA0;
	_ =	swait.ge [sflag:s7], $0x14000  }
0x4a: {  	s30 =	sadd.s32 $0x2800, s5;
	s0 =	simm.s32 $0x140;
	[sflag:s7] =	ssyncset.done $0x0  }
.LBB2_2:
0x4b: {  	s4 =	sadd.s32 s31, s6  }
0x4c: {  	[sflag:s7] =	ssyncadd.s32 $0xFFFEC000;
	s31 =	smov.u32 s0;
	s1 =	sadd.s32 $0xA0, s0  }
0x4d: {  	[tilespmem:s3], [sflag:$0x2] =	stream.linear.gather [hbm4b:s4+s3], $0x500, $0x38;
	[tilespmem:$0x14500] =	vst v63  }
0x4e: {  	p0 =	sne.s32 s0, $0x960;
	_ =	swait.ge [sflag:s7], $0x500  }
0x4f: {  	[sflag:s7] =	ssyncset.done $0x0  }
0x50: {  	[sflag:s7] =	ssyncadd.s32 $0xFFFFFB00  }
0x51: {  	[tilespmem:s9], [sflag:$0x1] =	stream.indirect.gather [hbm4b:s2+s8], $0x40, s3, s8, $0xb8;
	[tilespmem:$0x14500] =	vst v63  }
0x52: {  	_ = 	snop  }
0x53: {  	[tilespmem:s10], [sflag:$0x1] =	stream.indirect.gather [hbm4b:s2+s8], $0x40, s8, s8, $0xb8;
	[tilespmem:$0x14500] =	vst v63  }
0x54: {  	_ = 	snop  }
0x55: {  	[tilespmem:s12], [sflag:$0x1] =	stream.indirect.gather [hbm4b:s2+s8], $0x40, s11, s8, $0xb8;
	[tilespmem:$0x14500] =	vst v63  }
0x56: {  	_ = 	snop  }
0x57: {  	[tilespmem:s14], [sflag:$0x1] =	stream.indirect.gather [hbm4b:s2+s8], $0x40, s13, s8, $0xb8;
	[tilespmem:$0x14500] =	vst v63  }
0x58: {  	_ = 	snop  }
0x59: {  	[tilespmem:s16], [sflag:$0x1] =	stream.indirect.gather [hbm4b:s2+s8], $0x40, s15, s8, $0xb8;
	[tilespmem:$0x14500] =	vst v63  }
0x5a: {  	_ = 	snop  }
0x5b: {  	[tilespmem:s18], [sflag:$0x1] =	stream.indirect.gather [hbm4b:s2+s8], $0x40, s17, s8, $0xb8;
	[tilespmem:$0x14500] =	vst v63  }
0x5c: {  	_ = 	snop  }
0x5d: {  	[tilespmem:s20], [sflag:$0x1] =	stream.indirect.gather [hbm4b:s2+s8], $0x40, s19, s8, $0xb8;
	[tilespmem:$0x14500] =	vst v63  }
0x5e: {  	_ = 	snop  }
0x5f: {  	[tilespmem:s22], [sflag:$0x1] =	stream.indirect.gather [hbm4b:s2+s8], $0x40, s21, s8, $0xb8;
	[tilespmem:$0x14500] =	vst v63  }
0x60: {  	_ = 	snop  }
0x61: {  	[tilespmem:s24], [sflag:$0x1] =	stream.indirect.gather [hbm4b:s2+s8], $0x40, s23, s8, $0xb8;
	[tilespmem:$0x14500] =	vst v63  }
0x62: {  	_ = 	snop  }
0x63: {  	[tilespmem:s26], [sflag:$0x1] =	stream.indirect.gather [hbm4b:s2+s8], $0x40, s25, s8, $0xb8;
	[tilespmem:$0x14500] =	vst v63  }
0x64: {  	_ =	swait.ge [sflag:s28], $0x2000  }
0x65: {  	[sflag:s28] =	ssyncset.done $0x0  }
0x66: {  	[sflag:s28] =	ssyncadd.s32 $0xFFFFE000  }
0x67: {  	_ =	swait.ge [sflag:s28], $0x2000  }
0x68: {  	[sflag:s28] =	ssyncset.done $0x0  }
0x69: {  	[sflag:s28] =	ssyncadd.s32 $0xFFFFE000  }
0x6a: {  	_ =	swait.ge [sflag:s28], $0x2000  }
0x6b: {  	[sflag:s28] =	ssyncset.done $0x0  }
0x6c: {  	[sflag:s28] =	ssyncadd.s32 $0xFFFFE000  }
0x6d: {  	_ =	swait.ge [sflag:s28], $0x2000  }
0x6e: {  	[sflag:s28] =	ssyncset.done $0x0  }
0x6f: {  	[sflag:s28] =	ssyncadd.s32 $0xFFFFE000  }
0x70: {  	_ =	swait.ge [sflag:s28], $0x2000  }
0x71: {  	[sflag:s28] =	ssyncset.done $0x0  }
0x72: {  	[sflag:s28] =	ssyncadd.s32 $0xFFFFE000  }
0x73: {  	_ =	swait.ge [sflag:s28], $0x2000  }
0x74: {  	[sflag:s28] =	ssyncset.done $0x0  }
0x75: {  	[sflag:s28] =	ssyncadd.s32 $0xFFFFE000  }
0x76: {  	_ =	swait.ge [sflag:s28], $0x2000  }
0x77: {  	[sflag:s28] =	ssyncset.done $0x0  }
0x78: {  	[sflag:s28] =	ssyncadd.s32 $0xFFFFE000  }
0x79: {  	_ =	swait.ge [sflag:s28], $0x2000  }
0x7a: {  	[sflag:s28] =	ssyncset.done $0x0  }
0x7b: {  	[sflag:s28] =	ssyncadd.s32 $0xFFFFE000  }
0x7c: {  	_ =	swait.ge [sflag:s28], $0x2000  }
0x7d: {  	[sflag:s28] =	ssyncset.done $0x0  }
0x7e: {  	[sflag:s28] =	ssyncadd.s32 $0xFFFFE000  }
0x7f: {  	_ =	swait.ge [sflag:s28], $0x2000  }
.Ltmp0:
0x80: {  	[sflag:s28] =	ssyncset.done $0x0;
	(pc) =	sbr.rel @p0 .LBB2_2-.Ltmp0, $4  }
0x81: {  	[sflag:s28] =	ssyncadd.s32 $0xFFFFE000  }
0x82: {  	[hbm4b:s30+s3] =	stream.linear.scatter [tilespmem:s9], [sflag:$0x2], $0x14000, $0x38;
	[tilespmem:$0x14500] =	vst v63  }
0x83: {  	_ =	swait.ge [sflag:s7], $0x14000  }
0x84: {  	s0 =	smov.u32 s1;
	s30 =	sadd.s32 $0x2800, s30;
	[sflag:s7] =	ssyncset.done $0x0  }
0x85: {  	s0 =	sadd.s32 s31, s6;
	[sflag:s7] =	ssyncadd.s32 $0xFFFEC000  }
0x86: {  	[tilespmem:s3], [sflag:$0x2] =	stream.linear.gather [hbm4b:s0+s3], $0x500, $0x38;
	[tilespmem:$0x14500] =	vst v63  }
0x87: {  	_ =	swait.ge [sflag:s7], $0x500  }
0x88: {  	[sflag:s7] =	ssyncset.done $0x0  }
0x89: {  	[sflag:s7] =	ssyncadd.s32 $0xFFFFFB00  }
0x8a: {  	[tilespmem:s9], [sflag:$0x1] =	stream.indirect.gather [hbm4b:s2+s8], $0x40, s3, s8, $0xb8;
	[tilespmem:$0x14500] =	vst v63  }
0x8b: {  	_ = 	snop  }
0x8c: {  	[tilespmem:s10], [sflag:$0x1] =	stream.indirect.gather [hbm4b:s2+s8], $0x40, s8, s8, $0xb8;
	[tilespmem:$0x14500] =	vst v63  }
0x8d: {  	_ = 	snop  }
0x8e: {  	[tilespmem:s12], [sflag:$0x1] =	stream.indirect.gather [hbm4b:s2+s8], $0x40, s11, s8, $0xb8;
	[tilespmem:$0x14500] =	vst v63  }
0x8f: {  	_ = 	snop  }
0x90: {  	[tilespmem:s14], [sflag:$0x1] =	stream.indirect.gather [hbm4b:s2+s8], $0x40, s13, s8, $0xb8;
	[tilespmem:$0x14500] =	vst v63  }
0x91: {  	_ = 	snop  }
0x92: {  	[tilespmem:s16], [sflag:$0x1] =	stream.indirect.gather [hbm4b:s2+s8], $0x40, s15, s8, $0xb8;
	[tilespmem:$0x14500] =	vst v63  }
0x93: {  	_ = 	snop  }
0x94: {  	[tilespmem:s18], [sflag:$0x1] =	stream.indirect.gather [hbm4b:s2+s8], $0x40, s17, s8, $0xb8;
	[tilespmem:$0x14500] =	vst v63  }
0x95: {  	_ = 	snop  }
0x96: {  	[tilespmem:s20], [sflag:$0x1] =	stream.indirect.gather [hbm4b:s2+s8], $0x40, s19, s8, $0xb8;
	[tilespmem:$0x14500] =	vst v63  }
0x97: {  	_ = 	snop  }
0x98: {  	[tilespmem:s22], [sflag:$0x1] =	stream.indirect.gather [hbm4b:s2+s8], $0x40, s21, s8, $0xb8;
	[tilespmem:$0x14500] =	vst v63  }
0x99: {  	_ = 	snop  }
0x9a: {  	[tilespmem:s24], [sflag:$0x1] =	stream.indirect.gather [hbm4b:s2+s8], $0x40, s23, s8, $0xb8;
	[tilespmem:$0x14500] =	vst v63  }
0x9b: {  	_ = 	snop  }
0x9c: {  	[tilespmem:s26], [sflag:$0x1] =	stream.indirect.gather [hbm4b:s2+s8], $0x40, s25, s8, $0xb8;
	[tilespmem:$0x14500] =	vst v63  }
0x9d: {  	_ =	swait.ge [sflag:s28], $0x2000  }
0x9e: {  	[sflag:s28] =	ssyncset.done $0x0  }
0x9f: {  	[sflag:s28] =	ssyncadd.s32 $0xFFFFE000  }
0xa0: {  	_ =	swait.ge [sflag:s28], $0x2000  }
0xa1: {  	[sflag:s28] =	ssyncset.done $0x0  }
0xa2: {  	[sflag:s28] =	ssyncadd.s32 $0xFFFFE000  }
0xa3: {  	_ =	swait.ge [sflag:s28], $0x2000  }
0xa4: {  	[sflag:s28] =	ssyncset.done $0x0  }
0xa5: {  	[sflag:s28] =	ssyncadd.s32 $0xFFFFE000  }
0xa6: {  	_ =	swait.ge [sflag:s28], $0x2000  }
0xa7: {  	[sflag:s28] =	ssyncset.done $0x0  }
0xa8: {  	[sflag:s28] =	ssyncadd.s32 $0xFFFFE000  }
0xa9: {  	_ =	swait.ge [sflag:s28], $0x2000  }
0xaa: {  	[sflag:s28] =	ssyncset.done $0x0  }
0xab: {  	[sflag:s28] =	ssyncadd.s32 $0xFFFFE000  }
0xac: {  	_ =	swait.ge [sflag:s28], $0x2000  }
0xad: {  	[sflag:s28] =	ssyncset.done $0x0  }
0xae: {  	[sflag:s28] =	ssyncadd.s32 $0xFFFFE000  }
0xaf: {  	_ =	swait.ge [sflag:s28], $0x2000  }
0xb0: {  	[sflag:s28] =	ssyncset.done $0x0  }
0xb1: {  	[sflag:s28] =	ssyncadd.s32 $0xFFFFE000  }
0xb2: {  	_ =	swait.ge [sflag:s28], $0x2000  }
0xb3: {  	[sflag:s28] =	ssyncset.done $0x0  }
0xb4: {  	[sflag:s28] =	ssyncadd.s32 $0xFFFFE000  }
0xb5: {  	_ =	swait.ge [sflag:s28], $0x2000  }
0xb6: {  	[sflag:s28] =	ssyncset.done $0x0  }
0xb7: {  	[sflag:s28] =	ssyncadd.s32 $0xFFFFE000  }
0xb8: {  	_ =	swait.ge [sflag:s28], $0x2000  }
0xb9: {  	[sflag:s28] =	ssyncset.done $0x0  }
0xba: {  	[sflag:s28] =	ssyncadd.s32 $0xFFFFE000  }
0xbb: {  	[hbm4b:s30+s3] =	stream.linear.scatter [tilespmem:s9], [sflag:$0x2], $0x14000, $0x38;
	[tilespmem:$0x14500] =	vst v63  }
0xbc: {  	_ =	swait.ge [sflag:s7], $0x14000  }
0xbd: {  	s29 =	sadd.s32 $0x1, s29;
	s31 =	rddreg [dreg:$0x3]  }
0xbe: {  	p0 =	sne.s32 s29, s31  }
.Ltmp1:
0xbf: {  	_ = 	snop;
	(pc) =	sbr.rel @p0 .LBB2_1-.Ltmp1, $3  }
0xc0: {  	_ =	sdelay $0x1  }
0xc1: {  	[sflag:s7] =	ssyncset.done $0x0  }
0xc2: {  	[sflag:s7] =	ssyncadd.s32 $0xFFFEC000  }
0xc3: {  	_ =	sfence.sel $0x180000  }
0xc4: {  	[bflag:$0x0] =	sbarrier.arrive $0xFFFF  }
0xc5: {  	_ =	strace $0x9000004A  }
0xc6: {  	s0 =	stileid.u32;
	[bflag:$0x2] =	sbarrier.arrive $0xFFFF  }
0xc7: {  	p0 =	sne.s32 s0, $0x0;
	s0 =	rddreg [dreg:$0x2]  }
0xc8: {  	s0 =	sadd.s32 @!p0 $0x100000, s0  }
0xc9: {  	[sflag:s0] =	ssyncadd.tile.s32 @!p0 $0x1;
	_ =	shalt  }
.Lfunc_end2:
_tile_overlayer_lowered:
.L_overlay_start_2:
0xca: {  	(tag) =	ssettag $0x2  }
0xcb: {  	s0 =	rddreg [dreg:$0x0];
	s2 =	stileid.u32  }
0xcc: {  	s1 =	rddreg [dreg:$0x1];
	p0 =	sne.s32 s2, $0x0  }
0xcd: {  	s3 =	rddreg [dreg:$0x2];
	[bflag:$0x3] =	sbarrier.arrive $0xFFFF;
	s2 =	simm.s32 @!p0 $0x1C02  }
0xce: {  	[timem:s3], [sflag:s2] =	dma.local @!p0 [hbm:s0], s1  }
0xcf: {  	s0 =	simm.s32 @!p0 $0x2  }
0xd0: {  	_ =	swait.ge @!p0 [sflag:s0], s1  }
0xd1: {  	s1 =	ssub.s32 @!p0 $0x0, s1;
	[sflag:s0] =	ssyncset.done @!p0 $0x0  }
0xd2: {  	[sflag:s0] =	ssyncadd.s32 @!p0 s1  }
0xd3: {  	[bflag:$0x3] =	sbarrier.arrive $0xFFFF  }
0xd4: {  	_ =	shalt  }

// kernel: kernel.19.cloned.1.call-start
scs
__scs_entry_jumppad:
0x0: {  	(pc) =	sbr.rel $0x88, $3  }
0x1: {  	(tag) =	ssettag $0x0;
	lr =	simm.s32 $0x1  }
0x2: {  	[smem:$0x3F90] =	sst lr;
	_ =	strace $0xD0000000  }
0x3: {  	_ = 	snop  }
0x4: {  	_ = 	snop  }
0x5: {  	_ = 	snop  }
0x6: {  	_ = 	snop  }
0x7: {  	_ = 	snop  }
__scs_overlays_trampoline_lowered:
0x8: {  	[smem:$0x3F9F] =	sst s0  }
0x9: {  	[smem:$0x3FA0] =	sst s1  }
0xa: {  	[smem:$0x3FA1] =	sst s2  }
0xb: {  	[smem:$0x3FA2] =	sst s3  }
0xc: {  	[smem:$0x3FA3] =	sst s4  }
0xd: {  	[smem:$0x3FA4] =	sst s5  }
0xe: {  	[smem:$0x3FA5] =	sst s6  }
0xf: {  	[smem:$0x3FA6] =	sst s7  }
0x10: {  	[smem:$0x3FA7] =	sst s8  }
0x11: {  	[smem:$0x3FA8] =	sst s9;
	s0 =	simm.s32 @!p0 $0x0  }
0x12: {  	s1 =	sld [smem:$0x3F8E];
	s0 =	simm.s32 @p0 $0x1  }
0x13: {  	[smem:$0x3FA9] =	sst s0;
	s0 =	simm.s32 @!p1 $0x0  }
0x14: {  	s2 =	sld [smem:$0x3F8D];
	s0 =	simm.s32 @p1 $0x1  }
0x15: {  	[smem:$0x3FAA] =	sst s0;
	s0 =	simm.s32 @!p2 $0x0  }
0x16: {  	s3 =	sld [smem:$0x3FDB];
	s0 =	simm.s32 @p2 $0x1  }
0x17: {  	s4 =	simm.s32 $0x1BF5;
	[smem:$0x3FAC] =	sst s0  }
0x18: {  	s0 =	sld [smem:$0x3F8F];
	_ =	swait.ge [sflag:s4], $0x0  }
0x19: {  	s7 =	sld [smem:$0x3F90]  }
0x1a: {  	s8 =	sadd.s32 $0xFFFFE003, lr  }
0x1b: {  	s9 =	sadd.s32 $0xFFFFFEF7, lr;
	s5 =	simm.s32 $0xFFFFFFFF;
	p2 =	slt.u32 s8, $0xFFFFF086  }
0x1c: {  	p1 =	slt.u32 s9, $0xF7A;
	s5 =	simm.s32 @!p2 $0x0  }
0x1d: {  	s5 =	simm.s32 @p1 $0x1;
	p0 =	seq.s32 s7, s2  }
0x1e: {  	s7 =	smul.u32 @!p0 $0xF7A, s2;
	p2 =	seq.s32 @!p0 s5, $0x0  }
0x1f: {  	s9 =	smul.u32 $0xF7A, s1;
	s8 =	simm.s32 @!p0 $0x1BF5;
	p2 =	por !p2, p0  }
0x20: {  	[sflag:s8] =	ssyncset.s32 @!p0 $0xFFFFF086;
	s6 =	sadd.s32 @!p0 s3, s7;
	s7 =	simm.s32 @!p0 $0x108  }
0x21: {  	s3 =	sadd.s32 s3, s9;
	s6 =	sadd.s32 @!p0 $0x88, s6;
	s7 =	simm.s32 @p2 $0x1082  }
0x22: {  	[simem:s7], [sflag:s8] =	dma.local @!p0 [hbm:s6], $0xF7A  }
0x23: {  	s9 =	sor.u32 $0xD0000000, s2;
	s6 =	simm.s32 $0x108;
	_ =	swait.ge @!p0 [sflag:s8], $0x0  }
0x24: {  	s3 =	sadd.s32 $0x88, s3;
	s6 =	simm.s32 @!p1 $0x1082;
	[sflag:s4] =	ssyncset.s32 $0xFFFFF086  }
0x25: {  	[simem:s6], [sflag:s4] =	dma.local [hbm:s3], $0xF7A  }
0x26: {  	[smem:$0x3F90] =	sst s1;
	(tag) =	ssettag s2;
	_ =	strace s9  }
0x27: {  	s1 =	sld [smem:$0x3FA0]  }
0x28: {  	s2 =	sld [smem:$0x3FA1]  }
0x29: {  	s4 =	sld [smem:$0x3FA3]  }
0x2a: {  	p0 =	seq.s32 s5, $0x0;
	s5 =	sld [smem:$0x3FA4]  }
0x2b: {  	s6 =	sld [smem:$0x3FA5]  }
0x2c: {  	s7 =	sld [smem:$0x3FA6]  }
0x2d: {  	s3 =	simm.s32 $0x108;
	s8 =	sld [smem:$0x3FA7]  }
0x2e: {  	s3 =	simm.s32 @!p0 $0x1082;
	s9 =	sld [smem:$0x3FA8]  }
0x2f: {  	lr =	sadd.s32 s0, s3;
	s0 =	sld [smem:$0x3F9F]  }
0x30: {  	s3 =	sld [smem:$0x3FA2]  }
0x31: {  	[smem:$0x3FAB] =	sst s10  }
0x32: {  	s10 =	sld [smem:$0x3FA9];
	_ =	sdelay $0x3  }
0x33: {  	p0 =	seq.s32 s10, $0x1;
	s10 =	sld [smem:$0x3FAB];
	_ =	sdelay $0x3  }
0x34: {  	[smem:$0x3FAB] =	sst s10  }
0x35: {  	s10 =	sld [smem:$0x3FAA];
	_ =	sdelay $0x3  }
0x36: {  	p1 =	seq.s32 s10, $0x1;
	s10 =	sld [smem:$0x3FAB];
	_ =	sdelay $0x3  }
0x37: {  	[smem:$0x3FAB] =	sst s10  }
0x38: {  	s10 =	sld [smem:$0x3FAC]  }
0x39: {  	_ = 	snop;
	(pc) =	sbr.ind lr, $3  }
0x3a: {  	_ = 	snop  }
0x3b: {  	_ = 	snop  }
0x3c: {  	p2 =	seq.s32 s10, $0x1;
	s10 =	sld [smem:$0x3FAB]  }
0x3d: {  	_ =	shalt  }
0x3e: {  	_ =	shalt  }
0x3f: {  	_ =	shalt  }
0x40: {  	_ =	shalt  }
0x41: {  	_ =	shalt  }
0x42: {  	_ =	shalt  }
0x43: {  	_ =	shalt  }
0x44: {  	_ =	shalt  }
0x45: {  	_ =	shalt  }
0x46: {  	_ =	shalt  }
0x47: {  	_ =	shalt  }
0x48: {  	_ =	shalt  }
0x49: {  	_ =	shalt  }
0x4a: {  	_ =	shalt  }
0x4b: {  	_ =	shalt  }
0x4c: {  	_ =	shalt  }
0x4d: {  	_ =	shalt  }
0x4e: {  	_ =	shalt  }
0x4f: {  	_ =	shalt  }
0x50: {  	_ =	shalt  }
0x51: {  	_ =	shalt  }
0x52: {  	_ =	shalt  }
0x53: {  	_ =	shalt  }
0x54: {  	_ =	shalt  }
0x55: {  	_ =	shalt  }
0x56: {  	_ =	shalt  }
0x57: {  	_ =	shalt  }
0x58: {  	_ =	shalt  }
0x59: {  	_ =	shalt  }
0x5a: {  	_ =	shalt  }
0x5b: {  	_ =	shalt  }
0x5c: {  	_ =	shalt  }
0x5d: {  	_ =	shalt  }
0x5e: {  	_ =	shalt  }
0x5f: {  	_ =	shalt  }
0x60: {  	_ =	shalt  }
0x61: {  	_ =	shalt  }
0x62: {  	_ =	shalt  }
0x63: {  	_ =	shalt  }
0x64: {  	_ =	shalt  }
0x65: {  	_ =	shalt  }
0x66: {  	_ =	shalt  }
0x67: {  	_ =	shalt  }
0x68: {  	_ =	shalt  }
0x69: {  	_ =	shalt  }
0x6a: {  	_ =	shalt  }
0x6b: {  	_ =	shalt  }
0x6c: {  	_ =	shalt  }
0x6d: {  	_ =	shalt  }
0x6e: {  	_ =	shalt  }
0x6f: {  	_ =	shalt  }
0x70: {  	_ =	shalt  }
0x71: {  	_ =	shalt  }
0x72: {  	_ =	shalt  }
0x73: {  	_ =	shalt  }
0x74: {  	_ =	shalt  }
0x75: {  	_ =	shalt  }
0x76: {  	_ =	shalt  }
0x77: {  	_ =	shalt  }
0x78: {  	_ =	shalt  }
0x79: {  	_ =	shalt  }
0x7a: {  	_ =	shalt  }
0x7b: {  	_ =	shalt  }
0x7c: {  	_ =	shalt  }
0x7d: {  	_ =	shalt  }
0x7e: {  	_ =	shalt  }
0x7f: {  	_ =	shalt  }
0x80: {  	_ =	shalt  }
0x81: {  	_ =	shalt  }
0x82: {  	_ =	shalt  }
0x83: {  	_ =	shalt  }
0x84: {  	_ =	shalt  }
0x85: {  	_ =	shalt  }
0x86: {  	_ =	shalt  }
0x87: {  	_ =	shalt  }
.Lfunc_end0:
.L_simem_size_0:
called_computation.2_lowered:
.L_overlay_start_0:
0x88: {  	s2 =	sld [smem:$0x3FD9]  }
0x89: {  	s3 =	sld [smem:$0x3FFE];
	_ =	sdelay $0x1  }
0x8a: {  	s1 =	srdreg.scid  }
0x8b: {  	s0 =	sand.u32 $0x1, s1  }
0x8c: {  	s17 =	sshll.u32 s0, $0xA;
	s2 =	sadd.s32 s3, s2  }
0x8d: {  	s2 =	sadd.s32 s2, s17  }
0x8e: {  	[smem:$0x3FB7] =	sst s2  }
0x8f: {  	_ = 	snop  }
0x90: {  	s2 =	sld [smem:$0x3FD0];
	(tm) =	ssettm $0x1  }
0x91: {  	s18 =	sld [smem:$0x3FFB];
	_ =	sdelay $0x3  }
0x92: {  	_ =	strace s18  }
0x93: {  	s3 =	sld [smem:$0x3FFC];
	_ =	sdelay $0x3  }
0x94: {  	_ =	strace s3  }
0x95: {  	s3 =	sld [smem:$0x3FFD];
	_ =	sdelay $0x3  }
0x96: {  	_ =	strace s3  }
0x97: {  	_ =	strace $0x8FFFFFFF  }
0x98: {  	s19 =	sld [smem:$0x3FDB];
	_ =	sdelay $0x1  }
0x99: {  	s4 =	simm.s32 $_scs_section_size  }
0x9a: {  	s5 =	simm.s32 $_size__tile_overlayer_lowered;
	s6 =	simm.s32 $_tile_overlayer_lowered  }
0x9b: {  	s22 =	simm.s32 $0x1BFF;
	s21 =	sshll.u32 s6, $0x1;
	s3 =	sadd.s32 s4, s19  }
0x9c: {  	s7 =	simm.s32 $0x0;
	s20 =	sshll.u32 s5, $0x1;
	s5 =	sadd.s32 s21, s3  }
0x9d: {  	[timem:s7], [sflag:s22] =	dma.local [hbm:s5], s20  }
0x9e: {  	_ =	swait.ge [sflag:s22], s20  }
0x9f: {  	s4 =	ssub.s32 $0x0, s20;
	[sflag:s22] =	ssyncset.done $0x0  }
0xa0: {  	[sflag:s22] =	ssyncadd.s32 s4;
	_ =	sdelay $0x1  }
0xa1: {  	s23 =	simm.s32 $0x1B8B  }
0xa2: {  	_ =	swait.ge [sflag:s23], $0x1  }
0xa3: {  	[sflag:s23] =	ssyncset.done $0x0  }
0xa4: {  	s25 =	simm.s32 $0x1B8E;
	s24 =	sld [smem:$0x3FFE];
	[sflag:s23] =	ssyncadd.s32 $0xFFFFFFFF  }
0xa5: {  	s26 =	simm.s32 $execute0_lowered;
	[smem:$0x3FD2] =	sst s25  }
0xa6: {  	s5 =	sshll.u32 s26, $0x1;
	_ =	strace $0x8000004C;
	[dreg:$0x1] =	wrdreg $0xFFFFFFFF  }
0xa7: {  	s28 =	simm.s32 $_size_execute0_lowered;
	s3 =	sadd.s32 s3, s5;
	[dreg:$0x0] =	wrdreg $0x0  }
0xa8: {  	s5 =	sshll.u32 s28, $0x1;
	[dreg:$0x2] =	wrdreg s3  }
0xa9: {  	[dreg:$0x3] =	wrdreg s5  }
0xaa: {  	[dreg:$0x4] =	wrdreg $0xC0  }
0xab: {  	_ =	task [dreg:s7], $0x5FFFF  }
0xac: {  	[dreg:$0x1] =	wrdreg $0xFFFFFFFF  }
0xad: {  	[dreg:$0x0] =	wrdreg $0x60  }
0xae: {  	[dreg:$0x2] =	wrdreg s2  }
0xaf: {  	[dreg:$0x3] =	wrdreg s24  }
0xb0: {  	[dreg:$0x4] =	wrdreg $0x9  }
0xb1: {  	_ =	task.clear_ibuf [dreg:s7], $0x5FFFF;
	_ =	strace $0x9000004C  }
0xb2: {  	s29 =	simm.s32 $0x9;
	_ =	strace $0x8000004E  }
0xb3: {  	_ =	swait.ge [sflag:s29], $0x1  }
0xb4: {  	[sflag:s29] =	ssyncadd.s32 $0xFFFFFFFF  }
0xb5: {  	_ =	strace $0x9000004E  }
0xb6: {  	_ =	sfence  }
0xb7: {  	s30 =	sld [smem:$0x0];
	_ =	sdelay $0x2  }
0xb8: {  	s31 =	sshll.u32 s1, $0xD;
	s1 =	sshrl.u32 s1, $0x2  }
0xb9: {  	s3 =	sand.u32 $0x4000, s31;
	s1 =	sadd.s32 s1, s30  }
0xba: {  	s0 =	sor.u32 s3, s0;
	s1 =	sshll.u32 s1, $0x11  }
0xbb: {  	s0 =	sor.u32 s1, s0  }
0xbc: {  	s0 =	sadd.s32 $0x8F2B, s0  }
0xbd: {  	[sflag:s0] =	ssyncadd.remote.s32 $0x1  }
0xbe: {  	_ =	sfence.sel $0xFFFF  }
0xbf: {  	[dreg:$0x0] =	wrdreg $0xFFFFFFFF;
	(pc) =	sbr.abs _section_cstart, $3  }
0xc0: {  	[dreg:$0x1] =	wrdreg $0xFFFFFFFF  }
0xc1: {  	_ =	task.clear_ibuf [dreg:s7], $0x2FFFF;
	_ =	strace $0x9FFFFFFF  }
0xc2: {  	(tm) =	ssettm $0x7FFFFFFF  }
0xc3: {  	_ =	shalt  }
tec
execute0_lowered:
.L_overlay_start_1:
0x0: {  	(tag) =	ssettag $0x1  }
0x1: {  	s2 =	rddreg [dreg:$0x0]  }
0x2: {  	s0 =	rddreg [dreg:$0x1]  }
0x3: {  	s1 =	srdreg.scid;
	s6 =	stileid.u32  }
0x4: {  	s3 =	simm.s32 $0x0;
	s8 =	simm.s32 $0x80;
	s9 =	simm.s32 $0x500  }
0x5: {  	s10 =	simm.s32 $0x2500;
	s11 =	simm.s32 $0x100;
	s12 =	simm.s32 $0x4500  }
0x6: {  	s13 =	simm.s32 $0x180;
	s14 =	simm.s32 $0x6500;
	s15 =	simm.s32 $0x200  }
0x7: {  	s16 =	simm.s32 $0x8500;
	s17 =	simm.s32 $0x280;
	s18 =	simm.s32 $0xA500  }
0x8: {  	s19 =	simm.s32 $0x300;
	s20 =	simm.s32 $0xC500;
	s21 =	simm.s32 $0x380  }
0x9: {  	s22 =	simm.s32 $0xE500;
	s23 =	simm.s32 $0x400;
	s24 =	simm.s32 $0x10500  }
0xa: {  	s25 =	simm.s32 $0x480;
	s26 =	simm.s32 $0x12500;
	s4 =	smul.u32 $0xA000, s6  }
0xb: {  	s28 =	simm.s32 $0x1;
	s1 =	sand.u32 $0x1, s1;
	s6 =	smul.u32 $0x50000, s6  }
0xc: {  	s29 =	simm.s32 $0x0;
	[smem:$0x7FF] =	sst s3;
	s5 =	smul.u32 $0x5000, s1  }
0xd: {  	_ =	strace $0x8000004D;
	s7 =	ssub.s32 $0x2, s1;
	s1 =	smul.u32 $0x28000, s1  }
0xe: {  	s30 =	sshrl.u32 s7, $0x1;
	s6 =	sadd.s32 s6, s0;
	s4 =	sadd.s32 s5, s4  }
0xf: {  	s5 =	ssub.s32 s7, s30;
	s1 =	sadd.s32 s1, s6;
	s4 =	sshrl.u32 s4, $0x3  }
0x10: {  	s7 =	simm.s32 $0x2;
	s31 =	smax.u32 s5, $0x1;
	s0 =	sadd.s32 s4, s0  }
0x11: {  	s5 =	sadd.s32 $0x116C00, s1;
	[dreg:$0x3] =	wrdreg s31;
	s6 =	sadd.s32 $0x2A00, s0  }
.LBB2_1:
0x12: {  	s0 =	sadd.s32 $0x0, s6  }
0x13: {  	[tilespmem:s3], [sflag:$0x2] =	stream.linear.gather [hbm4b:s0+s3], $0x500, $0x38;
	[tilespmem:$0x14500] =	vst v63  }
0x14: {  	_ =	swait.ge [sflag:s7], $0x500  }
0x15: {  	[sflag:s7] =	ssyncset.done $0x0  }
0x16: {  	[sflag:s7] =	ssyncadd.s32 $0xFFFFFB00  }
0x17: {  	[tilespmem:s9], [sflag:$0x1] =	stream.indirect.gather [hbm4b:s2+s8], $0x40, s3, s8, $0xb8;
	[tilespmem:$0x14500] =	vst v63  }
0x18: {  	_ = 	snop  }
0x19: {  	[tilespmem:s10], [sflag:$0x1] =	stream.indirect.gather [hbm4b:s2+s8], $0x40, s8, s8, $0xb8;
	[tilespmem:$0x14500] =	vst v63  }
0x1a: {  	_ = 	snop  }
0x1b: {  	[tilespmem:s12], [sflag:$0x1] =	stream.indirect.gather [hbm4b:s2+s8], $0x40, s11, s8, $0xb8;
	[tilespmem:$0x14500] =	vst v63  }
0x1c: {  	_ = 	snop  }
0x1d: {  	[tilespmem:s14], [sflag:$0x1] =	stream.indirect.gather [hbm4b:s2+s8], $0x40, s13, s8, $0xb8;
	[tilespmem:$0x14500] =	vst v63  }
0x1e: {  	_ = 	snop  }
0x1f: {  	[tilespmem:s16], [sflag:$0x1] =	stream.indirect.gather [hbm4b:s2+s8], $0x40, s15, s8, $0xb8;
	[tilespmem:$0x14500] =	vst v63  }
0x20: {  	_ = 	snop  }
0x21: {  	[tilespmem:s18], [sflag:$0x1] =	stream.indirect.gather [hbm4b:s2+s8], $0x40, s17, s8, $0xb8;
	[tilespmem:$0x14500] =	vst v63  }
0x22: {  	_ = 	snop  }
0x23: {  	[tilespmem:s20], [sflag:$0x1] =	stream.indirect.gather [hbm4b:s2+s8], $0x40, s19, s8, $0xb8;
	[tilespmem:$0x14500] =	vst v63  }
0x24: {  	_ = 	snop  }
0x25: {  	[tilespmem:s22], [sflag:$0x1] =	stream.indirect.gather [hbm4b:s2+s8], $0x40, s21, s8, $0xb8;
	[tilespmem:$0x14500] =	vst v63  }
0x26: {  	_ = 	snop  }
0x27: {  	[tilespmem:s24], [sflag:$0x1] =	stream.indirect.gather [hbm4b:s2+s8], $0x40, s23, s8, $0xb8;
	[tilespmem:$0x14500] =	vst v63  }
0x28: {  	_ = 	snop  }
0x29: {  	[tilespmem:s26], [sflag:$0x1] =	stream.indirect.gather [hbm4b:s2+s8], $0x40, s25, s8, $0xb8;
	[tilespmem:$0x14500] =	vst v63  }
0x2a: {  	_ =	swait.ge [sflag:s28], $0x2000  }
0x2b: {  	[sflag:s28] =	ssyncset.done $0x0  }
0x2c: {  	[sflag:s28] =	ssyncadd.s32 $0xFFFFE000  }
0x2d: {  	_ =	swait.ge [sflag:s28], $0x2000  }
0x2e: {  	[sflag:s28] =	ssyncset.done $0x0  }
0x2f: {  	[sflag:s28] =	ssyncadd.s32 $0xFFFFE000  }
0x30: {  	_ =	swait.ge [sflag:s28], $0x2000  }
0x31: {  	[sflag:s28] =	ssyncset.done $0x0  }
0x32: {  	[sflag:s28] =	ssyncadd.s32 $0xFFFFE000  }
0x33: {  	_ =	swait.ge [sflag:s28], $0x2000  }
0x34: {  	[sflag:s28] =	ssyncset.done $0x0  }
0x35: {  	[sflag:s28] =	ssyncadd.s32 $0xFFFFE000  }
0x36: {  	_ =	swait.ge [sflag:s28], $0x2000  }
0x37: {  	[sflag:s28] =	ssyncset.done $0x0  }
0x38: {  	[sflag:s28] =	ssyncadd.s32 $0xFFFFE000  }
0x39: {  	_ =	swait.ge [sflag:s28], $0x2000  }
0x3a: {  	[sflag:s28] =	ssyncset.done $0x0  }
0x3b: {  	[sflag:s28] =	ssyncadd.s32 $0xFFFFE000  }
0x3c: {  	_ =	swait.ge [sflag:s28], $0x2000  }
0x3d: {  	[sflag:s28] =	ssyncset.done $0x0  }
0x3e: {  	[sflag:s28] =	ssyncadd.s32 $0xFFFFE000  }
0x3f: {  	_ =	swait.ge [sflag:s28], $0x2000  }
0x40: {  	[sflag:s28] =	ssyncset.done $0x0  }
0x41: {  	[sflag:s28] =	ssyncadd.s32 $0xFFFFE000  }
0x42: {  	_ =	swait.ge [sflag:s28], $0x2000  }
0x43: {  	[sflag:s28] =	ssyncset.done $0x0  }
0x44: {  	[sflag:s28] =	ssyncadd.s32 $0xFFFFE000  }
0x45: {  	_ =	swait.ge [sflag:s28], $0x2000  }
0x46: {  	[sflag:s28] =	ssyncset.done $0x0  }
0x47: {  	[sflag:s28] =	ssyncadd.s32 $0xFFFFE000  }
0x48: {  	[hbm4b:s5+s3] =	stream.linear.scatter [tilespmem:s9], [sflag:$0x2], $0x14000, $0x38;
	[tilespmem:$0x14500] =	vst v63  }
0x49: {  	s31 =	simm.s32 $0xA0;
	_ =	swait.ge [sflag:s7], $0x14000  }
0x4a: {  	s30 =	sadd.s32 $0x2800, s5;
	s0 =	simm.s32 $0x140;
	[sflag:s7] =	ssyncset.done $0x0  }
.LBB2_2:
0x4b: {  	s4 =	sadd.s32 s31, s6  }
0x4c: {  	[sflag:s7] =	ssyncadd.s32 $0xFFFEC000;
	s31 =	smov.u32 s0;
	s1 =	sadd.s32 $0xA0, s0  }
0x4d: {  	[tilespmem:s3], [sflag:$0x2] =	stream.linear.gather [hbm4b:s4+s3], $0x500, $0x38;
	[tilespmem:$0x14500] =	vst v63  }
0x4e: {  	p0 =	sne.s32 s0, $0x960;
	_ =	swait.ge [sflag:s7], $0x500  }
0x4f: {  	[sflag:s7] =	ssyncset.done $0x0  }
0x50: {  	[sflag:s7] =	ssyncadd.s32 $0xFFFFFB00  }
0x51: {  	[tilespmem:s9], [sflag:$0x1] =	stream.indirect.gather [hbm4b:s2+s8], $0x40, s3, s8, $0xb8;
	[tilespmem:$0x14500] =	vst v63  }
0x52: {  	_ = 	snop  }
0x53: {  	[tilespmem:s10], [sflag:$0x1] =	stream.indirect.gather [hbm4b:s2+s8], $0x40, s8, s8, $0xb8;
	[tilespmem:$0x14500] =	vst v63  }
0x54: {  	_ = 	snop  }
0x55: {  	[tilespmem:s12], [sflag:$0x1] =	stream.indirect.gather [hbm4b:s2+s8], $0x40, s11, s8, $0xb8;
	[tilespmem:$0x14500] =	vst v63  }
0x56: {  	_ = 	snop  }
0x57: {  	[tilespmem:s14], [sflag:$0x1] =	stream.indirect.gather [hbm4b:s2+s8], $0x40, s13, s8, $0xb8;
	[tilespmem:$0x14500] =	vst v63  }
0x58: {  	_ = 	snop  }
0x59: {  	[tilespmem:s16], [sflag:$0x1] =	stream.indirect.gather [hbm4b:s2+s8], $0x40, s15, s8, $0xb8;
	[tilespmem:$0x14500] =	vst v63  }
0x5a: {  	_ = 	snop  }
0x5b: {  	[tilespmem:s18], [sflag:$0x1] =	stream.indirect.gather [hbm4b:s2+s8], $0x40, s17, s8, $0xb8;
	[tilespmem:$0x14500] =	vst v63  }
0x5c: {  	_ = 	snop  }
0x5d: {  	[tilespmem:s20], [sflag:$0x1] =	stream.indirect.gather [hbm4b:s2+s8], $0x40, s19, s8, $0xb8;
	[tilespmem:$0x14500] =	vst v63  }
0x5e: {  	_ = 	snop  }
0x5f: {  	[tilespmem:s22], [sflag:$0x1] =	stream.indirect.gather [hbm4b:s2+s8], $0x40, s21, s8, $0xb8;
	[tilespmem:$0x14500] =	vst v63  }
0x60: {  	_ = 	snop  }
0x61: {  	[tilespmem:s24], [sflag:$0x1] =	stream.indirect.gather [hbm4b:s2+s8], $0x40, s23, s8, $0xb8;
	[tilespmem:$0x14500] =	vst v63  }
0x62: {  	_ = 	snop  }
0x63: {  	[tilespmem:s26], [sflag:$0x1] =	stream.indirect.gather [hbm4b:s2+s8], $0x40, s25, s8, $0xb8;
	[tilespmem:$0x14500] =	vst v63  }
0x64: {  	_ =	swait.ge [sflag:s28], $0x2000  }
0x65: {  	[sflag:s28] =	ssyncset.done $0x0  }
0x66: {  	[sflag:s28] =	ssyncadd.s32 $0xFFFFE000  }
0x67: {  	_ =	swait.ge [sflag:s28], $0x2000  }
0x68: {  	[sflag:s28] =	ssyncset.done $0x0  }
0x69: {  	[sflag:s28] =	ssyncadd.s32 $0xFFFFE000  }
0x6a: {  	_ =	swait.ge [sflag:s28], $0x2000  }
0x6b: {  	[sflag:s28] =	ssyncset.done $0x0  }
0x6c: {  	[sflag:s28] =	ssyncadd.s32 $0xFFFFE000  }
0x6d: {  	_ =	swait.ge [sflag:s28], $0x2000  }
0x6e: {  	[sflag:s28] =	ssyncset.done $0x0  }
0x6f: {  	[sflag:s28] =	ssyncadd.s32 $0xFFFFE000  }
0x70: {  	_ =	swait.ge [sflag:s28], $0x2000  }
0x71: {  	[sflag:s28] =	ssyncset.done $0x0  }
0x72: {  	[sflag:s28] =	ssyncadd.s32 $0xFFFFE000  }
0x73: {  	_ =	swait.ge [sflag:s28], $0x2000  }
0x74: {  	[sflag:s28] =	ssyncset.done $0x0  }
0x75: {  	[sflag:s28] =	ssyncadd.s32 $0xFFFFE000  }
0x76: {  	_ =	swait.ge [sflag:s28], $0x2000  }
0x77: {  	[sflag:s28] =	ssyncset.done $0x0  }
0x78: {  	[sflag:s28] =	ssyncadd.s32 $0xFFFFE000  }
0x79: {  	_ =	swait.ge [sflag:s28], $0x2000  }
0x7a: {  	[sflag:s28] =	ssyncset.done $0x0  }
0x7b: {  	[sflag:s28] =	ssyncadd.s32 $0xFFFFE000  }
0x7c: {  	_ =	swait.ge [sflag:s28], $0x2000  }
0x7d: {  	[sflag:s28] =	ssyncset.done $0x0  }
0x7e: {  	[sflag:s28] =	ssyncadd.s32 $0xFFFFE000  }
0x7f: {  	_ =	swait.ge [sflag:s28], $0x2000  }
.Ltmp0:
0x80: {  	[sflag:s28] =	ssyncset.done $0x0;
	(pc) =	sbr.rel @p0 .LBB2_2-.Ltmp0, $4  }
0x81: {  	[sflag:s28] =	ssyncadd.s32 $0xFFFFE000  }
0x82: {  	[hbm4b:s30+s3] =	stream.linear.scatter [tilespmem:s9], [sflag:$0x2], $0x14000, $0x38;
	[tilespmem:$0x14500] =	vst v63  }
0x83: {  	_ =	swait.ge [sflag:s7], $0x14000  }
0x84: {  	s0 =	smov.u32 s1;
	s30 =	sadd.s32 $0x2800, s30;
	[sflag:s7] =	ssyncset.done $0x0  }
0x85: {  	s0 =	sadd.s32 s31, s6;
	[sflag:s7] =	ssyncadd.s32 $0xFFFEC000  }
0x86: {  	[tilespmem:s3], [sflag:$0x2] =	stream.linear.gather [hbm4b:s0+s3], $0x500, $0x38;
	[tilespmem:$0x14500] =	vst v63  }
0x87: {  	_ =	swait.ge [sflag:s7], $0x500  }
0x88: {  	[sflag:s7] =	ssyncset.done $0x0  }
0x89: {  	[sflag:s7] =	ssyncadd.s32 $0xFFFFFB00  }
0x8a: {  	[tilespmem:s9], [sflag:$0x1] =	stream.indirect.gather [hbm4b:s2+s8], $0x40, s3, s8, $0xb8;
	[tilespmem:$0x14500] =	vst v63  }
0x8b: {  	_ = 	snop  }
0x8c: {  	[tilespmem:s10], [sflag:$0x1] =	stream.indirect.gather [hbm4b:s2+s8], $0x40, s8, s8, $0xb8;
	[tilespmem:$0x14500] =	vst v63  }
0x8d: {  	_ = 	snop  }
0x8e: {  	[tilespmem:s12], [sflag:$0x1] =	stream.indirect.gather [hbm4b:s2+s8], $0x40, s11, s8, $0xb8;
	[tilespmem:$0x14500] =	vst v63  }
0x8f: {  	_ = 	snop  }
0x90: {  	[tilespmem:s14], [sflag:$0x1] =	stream.indirect.gather [hbm4b:s2+s8], $0x40, s13, s8, $0xb8;
	[tilespmem:$0x14500] =	vst v63  }
0x91: {  	_ = 	snop  }
0x92: {  	[tilespmem:s16], [sflag:$0x1] =	stream.indirect.gather [hbm4b:s2+s8], $0x40, s15, s8, $0xb8;
	[tilespmem:$0x14500] =	vst v63  }
0x93: {  	_ = 	snop  }
0x94: {  	[tilespmem:s18], [sflag:$0x1] =	stream.indirect.gather [hbm4b:s2+s8], $0x40, s17, s8, $0xb8;
	[tilespmem:$0x14500] =	vst v63  }
0x95: {  	_ = 	snop  }
0x96: {  	[tilespmem:s20], [sflag:$0x1] =	stream.indirect.gather [hbm4b:s2+s8], $0x40, s19, s8, $0xb8;
	[tilespmem:$0x14500] =	vst v63  }
0x97: {  	_ = 	snop  }
0x98: {  	[tilespmem:s22], [sflag:$0x1] =	stream.indirect.gather [hbm4b:s2+s8], $0x40, s21, s8, $0xb8;
	[tilespmem:$0x14500] =	vst v63  }
0x99: {  	_ = 	snop  }
0x9a: {  	[tilespmem:s24], [sflag:$0x1] =	stream.indirect.gather [hbm4b:s2+s8], $0x40, s23, s8, $0xb8;
	[tilespmem:$0x14500] =	vst v63  }
0x9b: {  	_ = 	snop  }
0x9c: {  	[tilespmem:s26], [sflag:$0x1] =	stream.indirect.gather [hbm4b:s2+s8], $0x40, s25, s8, $0xb8;
	[tilespmem:$0x14500] =	vst v63  }
0x9d: {  	_ =	swait.ge [sflag:s28], $0x2000  }
0x9e: {  	[sflag:s28] =	ssyncset.done $0x0  }
0x9f: {  	[sflag:s28] =	ssyncadd.s32 $0xFFFFE000  }
0xa0: {  	_ =	swait.ge [sflag:s28], $0x2000  }
0xa1: {  	[sflag:s28] =	ssyncset.done $0x0  }
0xa2: {  	[sflag:s28] =	ssyncadd.s32 $0xFFFFE000  }
0xa3: {  	_ =	swait.ge [sflag:s28], $0x2000  }
0xa4: {  	[sflag:s28] =	ssyncset.done $0x0  }
0xa5: {  	[sflag:s28] =	ssyncadd.s32 $0xFFFFE000  }
0xa6: {  	_ =	swait.ge [sflag:s28], $0x2000  }
0xa7: {  	[sflag:s28] =	ssyncset.done $0x0  }
0xa8: {  	[sflag:s28] =	ssyncadd.s32 $0xFFFFE000  }
0xa9: {  	_ =	swait.ge [sflag:s28], $0x2000  }
0xaa: {  	[sflag:s28] =	ssyncset.done $0x0  }
0xab: {  	[sflag:s28] =	ssyncadd.s32 $0xFFFFE000  }
0xac: {  	_ =	swait.ge [sflag:s28], $0x2000  }
0xad: {  	[sflag:s28] =	ssyncset.done $0x0  }
0xae: {  	[sflag:s28] =	ssyncadd.s32 $0xFFFFE000  }
0xaf: {  	_ =	swait.ge [sflag:s28], $0x2000  }
0xb0: {  	[sflag:s28] =	ssyncset.done $0x0  }
0xb1: {  	[sflag:s28] =	ssyncadd.s32 $0xFFFFE000  }
0xb2: {  	_ =	swait.ge [sflag:s28], $0x2000  }
0xb3: {  	[sflag:s28] =	ssyncset.done $0x0  }
0xb4: {  	[sflag:s28] =	ssyncadd.s32 $0xFFFFE000  }
0xb5: {  	_ =	swait.ge [sflag:s28], $0x2000  }
0xb6: {  	[sflag:s28] =	ssyncset.done $0x0  }
0xb7: {  	[sflag:s28] =	ssyncadd.s32 $0xFFFFE000  }
0xb8: {  	_ =	swait.ge [sflag:s28], $0x2000  }
0xb9: {  	[sflag:s28] =	ssyncset.done $0x0  }
0xba: {  	[sflag:s28] =	ssyncadd.s32 $0xFFFFE000  }
0xbb: {  	[hbm4b:s30+s3] =	stream.linear.scatter [tilespmem:s9], [sflag:$0x2], $0x14000, $0x38;
	[tilespmem:$0x14500] =	vst v63  }
0xbc: {  	_ =	swait.ge [sflag:s7], $0x14000  }
0xbd: {  	s29 =	sadd.s32 $0x1, s29;
	s31 =	rddreg [dreg:$0x3]  }
0xbe: {  	p0 =	sne.s32 s29, s31  }
.Ltmp1:
0xbf: {  	_ = 	snop;
	(pc) =	sbr.rel @p0 .LBB2_1-.Ltmp1, $3  }
0xc0: {  	_ =	sdelay $0x1  }
0xc1: {  	[sflag:s7] =	ssyncset.done $0x0  }
0xc2: {  	[sflag:s7] =	ssyncadd.s32 $0xFFFEC000  }
0xc3: {  	_ =	sfence.sel $0x180000  }
0xc4: {  	[bflag:$0x0] =	sbarrier.arrive $0xFFFF  }
0xc5: {  	_ =	strace $0x9000004D  }
0xc6: {  	s0 =	stileid.u32;
	[bflag:$0x2] =	sbarrier.arrive $0xFFFF  }
0xc7: {  	p0 =	sne.s32 s0, $0x0;
	s0 =	rddreg [dreg:$0x2]  }
0xc8: {  	s0 =	sadd.s32 @!p0 $0x100000, s0  }
0xc9: {  	[sflag:s0] =	ssyncadd.tile.s32 @!p0 $0x1;
	_ =	shalt  }
.Lfunc_end2:
_tile_overlayer_lowered:
.L_overlay_start_2:
0xca: {  	(tag) =	ssettag $0x2  }
0xcb: {  	s0 =	rddreg [dreg:$0x0];
	s2 =	stileid.u32  }
0xcc: {  	s1 =	rddreg [dreg:$0x1];
	p0 =	sne.s32 s2, $0x0  }
0xcd: {  	s3 =	rddreg [dreg:$0x2];
	[bflag:$0x3] =	sbarrier.arrive $0xFFFF;
	s2 =	simm.s32 @!p0 $0x1C02  }
0xce: {  	[timem:s3], [sflag:s2] =	dma.local @!p0 [hbm:s0], s1  }
0xcf: {  	s0 =	simm.s32 @!p0 $0x2  }
0xd0: {  	_ =	swait.ge @!p0 [sflag:s0], s1  }
0xd1: {  	s1 =	ssub.s32 @!p0 $0x0, s1;
	[sflag:s0] =	ssyncset.done @!p0 $0x0  }
0xd2: {  	[sflag:s0] =	ssyncadd.s32 @!p0 s1  }
0xd3: {  	[bflag:$0x3] =	sbarrier.arrive $0xFFFF  }
0xd4: {  	_ =	shalt  }

</sc_bundles>
